<compile_context>
chip_gen: v7x
topology: tpu7x:2x2x1
jax: 0.10.2.dev20260603
libtpu: 0.0.44.dev20260713+nightly
codegen_flags: <defaults>
</compile_context>

<pallas_src>
import functools

import jax
import jax.numpy as jnp
from jax import lax
from jax.experimental import pallas as pl
from jax.experimental.pallas import tpu as pltpu
from jax.experimental.pallas import tpu_sc as plsc

B = 16384
EMB = 32

_f32 = jnp.float32

CUST_N = 1_000_000
ART_N = 100_000
CB_ROWS = 7813
AB_ROWS = 782

PNB = 8192


def _project_body(ct_r, w_r, out_r):
    x = ct_r[...]
    wbd = w_r[...]
    groups = []
    for s in range(PNB // 512):
        xs = jnp.concatenate(
            [x[:, 512 * s + 128 * q: 512 * s + 128 * (q + 1)]
             for q in range(4)], axis=0)
        groups.append(lax.dot_general(xs, wbd, (((0,), (0,)), ((), ())),
                                      preferred_element_type=_f32))
    out_r[...] = jnp.concatenate(groups, axis=0)


def _project(table_t, wbd, n):
    grid = -(-n // PNB)
    return pl.pallas_call(
        _project_body,
        grid=(grid,),
        in_specs=[
            pl.BlockSpec((EMB, PNB), lambda i: (0, i)),
            pl.BlockSpec((128, 128), lambda i: (0, 0)),
        ],
        out_specs=pl.BlockSpec((PNB // 4, 128), lambda i: (i, 0)),
        out_shape=jax.ShapeDtypeStruct((grid * (PNB // 4), 128), _f32),
        compiler_params=pltpu.CompilerParams(
            dimension_semantics=("parallel",)),
    )(table_t, wbd)


@functools.lru_cache(maxsize=None)
def _sc_gather_fn():
    info = plsc.get_sparse_core_info()
    nc, ns = info.num_cores, info.num_subcores
    nw = nc * ns
    bpw = B // nw
    ch = 128
    nch = bpw // ch

    mesh = plsc.VectorSubcoreMesh(
        core_axis_name="c", subcore_axis_name="s", num_cores=nc,
        num_subcores=ns,
    )

    def body(ic_i, ia_i, icb_i, iab_i, cust_t, art_t, cb_t, ab_t,
             cust_o, art_o, cb_o, ab_o,
             icv, iav, icbv, iabv, bufc, bufa, bufcb, bufab, sem):
        wid = lax.axis_index("s") * nc + lax.axis_index("c")
        for k in range(nch):
            sl = pl.ds(wid * bpw + k * ch, ch)
            pltpu.sync_copy(ic_i.at[sl], icv)
            pltpu.sync_copy(ia_i.at[sl], iav)
            pltpu.sync_copy(icb_i.at[sl], icbv)
            pltpu.sync_copy(iab_i.at[sl], iabv)

            c0 = pltpu.async_copy(cust_t.at[icv], bufc, sem)
            c1 = pltpu.async_copy(art_t.at[iav], bufa, sem)
            c2 = pltpu.async_copy(cb_t.at[icbv], bufcb, sem)
            c3 = pltpu.async_copy(ab_t.at[iabv], bufab, sem)
            for c in (c0, c1, c2, c3):
                c.wait()

            pltpu.sync_copy(bufc, cust_o.at[sl])
            pltpu.sync_copy(bufa, art_o.at[sl])
            pltpu.sync_copy(bufcb, cb_o.at[sl])
            pltpu.sync_copy(bufab, ab_o.at[sl])

    return pl.kernel(
        body,
        out_type=(
            jax.ShapeDtypeStruct((B, 128), _f32),
            jax.ShapeDtypeStruct((B, 128), _f32),
            jax.ShapeDtypeStruct((B, 128), _f32),
            jax.ShapeDtypeStruct((B, 128), _f32),
        ),
        mesh=mesh,
        scratch_types=[
            pltpu.VMEM((128,), jnp.int32),
            pltpu.VMEM((128,), jnp.int32),
            pltpu.VMEM((128,), jnp.int32),
            pltpu.VMEM((128,), jnp.int32),
            pltpu.VMEM((128, 128), _f32),
            pltpu.VMEM((128, 128), _f32),
            pltpu.VMEM((128, 128), _f32),
            pltpu.VMEM((128, 128), _f32),
            pltpu.SemaphoreType.DMA,
        ],
    )


def _sigmoid(x):
    return 1.0 / (1.0 + jnp.exp(-x))


TB = 2048

NUM_AGE = 100
NUM_IDXGROUP = 10
NUM_GARMENT = 21


def _onehot(idx_blk, n):
    classes = lax.broadcasted_iota(jnp.int32, (idx_blk.shape[0], n), 1)
    return jnp.where(classes == idx_blk, 1.0, 0.0).astype(_f32)


def _dot(a, b):
    return jnp.dot(a, b, preferred_element_type=_f32)


def _quarter_select(g, q_blk):
    out = jnp.zeros((g.shape[0], EMB), _f32)
    for q in range(4):
        out = out + jnp.where(q_blk == q, g[:, q * EMB:(q + 1) * EMB], 0.0)
    return out


def _lane_select(g, l_blk):
    lanes = lax.broadcasted_iota(jnp.int32, g.shape, 1)
    return jnp.sum(jnp.where(lanes == l_blk, g, 0.0), axis=1, keepdims=True)


def _tc_body(zc_g, za_g, cbg_r, abg_r, cq_r, aq_r, cbl_r, abl_r,
             age_r, idxg_r, gar_r,
             age_t, idxg_t, gar_t, wc_r, bc_r, wa_r, ba_r, out_r):
    wc = wc_r[...]
    wa = wa_r[...]
    zc = _quarter_select(zc_g[...], cq_r[...])
    za = _quarter_select(za_g[...], aq_r[...])
    cb = _lane_select(cbg_r[...], cbl_r[...])
    ab = _lane_select(abg_r[...], abl_r[...])

    age_proj = _dot(age_t[...], wc[EMB:2 * EMB])
    idxg_proj = _dot(idxg_t[...], wa[EMB:2 * EMB])
    gar_proj = _dot(gar_t[...], wa[2 * EMB:3 * EMB])

    cm = _sigmoid(
        zc + _dot(_onehot(age_r[...], NUM_AGE), age_proj) + bc_r[...]
    )
    am = _sigmoid(
        za
        + _dot(_onehot(idxg_r[...], NUM_IDXGROUP), idxg_proj)
        + _dot(_onehot(gar_r[...], NUM_GARMENT), gar_proj)
        + ba_r[...]
    )
    x = jnp.sum(cm * am, axis=1, keepdims=True) + cb + ab
    out_r[...] = _sigmoid(x)


def _tc_dense(zc_g, za_g, cb_g, ab_g, cq, aq, cbl, abl,
              age_i, idxg_i, gar_i,
              age_t, idxg_t, gar_t, w_cust, b_cust, w_art, b_art):
    n_blocks = B // TB
    g_spec = pl.BlockSpec((TB, 128), lambda i: (i, 0))
    col_spec = pl.BlockSpec((TB, 1), lambda i: (i, 0))
    full = lambda shape: pl.BlockSpec(shape, lambda i: (0, 0))
    return pl.pallas_call(
        _tc_body,
        grid=(n_blocks,),
        in_specs=[
            g_spec, g_spec, g_spec, g_spec,
            col_spec, col_spec, col_spec, col_spec,
            col_spec, col_spec, col_spec,
            full((NUM_AGE, EMB)), full((NUM_IDXGROUP, EMB)),
            full((NUM_GARMENT, EMB)),
            full((2 * EMB, EMB)), full((1, EMB)),
            full((3 * EMB, EMB)), full((1, EMB)),
        ],
        out_specs=col_spec,
        out_shape=jax.ShapeDtypeStruct((B, 1), _f32),
        compiler_params=pltpu.CompilerParams(
            dimension_semantics=("parallel",)),
    )(zc_g, za_g, cb_g, ab_g, cq, aq, cbl, abl,
      age_i, idxg_i, gar_i,
      age_t, idxg_t, gar_t, w_cust, b_cust, w_art, b_art)


def kernel(row, customer_embed, art_embed, customer_bias, article_bias,
           age_embed, indexgroup_embed, garmentgroup_embed,
           W_art, b_art, W_cust, b_cust):
    row = row.astype(jnp.int32)
    cust = row[:, 0]
    art = row[:, 1]
    age = jnp.where(row[:, 2] < 0, 36, row[:, 2]) - 1
    gar = row[:, 3] - 1001
    idxg = row[:, 4] - 1

    eye4 = jnp.eye(4, dtype=_f32)
    wc_bd = jnp.kron(eye4, W_cust[0:EMB])
    wa_bd = jnp.kron(eye4, W_art[0:EMB])
    zc_tbl = _project(customer_embed.T, wc_bd, CUST_N)
    za_tbl = _project(art_embed.T, wa_bd, ART_N)

    cb_tbl = jnp.pad(customer_bias,
                     ((0, CB_ROWS * 128 - CUST_N), (0, 0))).reshape(-1, 128)
    ab_tbl = jnp.pad(article_bias,
                     ((0, AB_ROWS * 128 - ART_N), (0, 0))).reshape(-1, 128)

    ic = 128 * (cust // 512) + cust % 128
    ia = 128 * (art // 512) + art % 128

    zc_g, za_g, cb_g, ab_g = _sc_gather_fn()(
        ic, ia, cust // 128, art // 128,
        zc_tbl, za_tbl, cb_tbl, ab_tbl,
    )
    return _tc_dense(
        zc_g, za_g, cb_g, ab_g,
        ((cust % 512) // 128).reshape(B, 1),
        ((art % 512) // 128).reshape(B, 1),
        (cust % 128).reshape(B, 1), (art % 128).reshape(B, 1),
        age.reshape(B, 1), idxg.reshape(B, 1), gar.reshape(B, 1),
        age_embed, indexgroup_embed, garmentgroup_embed,
        W_cust, b_cust.reshape(1, EMB), W_art, b_art.reshape(1, EMB),
    )

# --- scband reference (transcript-rebuilt; emitter-appended) ---
"""Pipeline reference for scband-hm-extended-42623255446118 (READ-ONLY COPY).

The authoritative reference and input builder live on the scoring server;
editing this copy changes nothing except your own understanding.
"""

import jax, jax.numpy as jnp
import numpy as np

NUM_CUSTOMER = 1000000
NUM_ARTICLES = 100000
NUM_AGE = 100
NUM_IDXGROUP = 10
NUM_GARMENT = 21
EMB = 32
B = 16384


def setup_inputs(seed: int = 0) -> dict:
    key = jax.random.key(seed)
    ks = jax.random.split(key, 16)
    # row columns: customer, article, age, garment_group, index_group
    # Ranges are chosen so the forward's offset arithmetic yields valid indices:
    #   age in [1, NUM_AGE]          -> age - 1 in [0, NUM_AGE)
    #   garment in [1001, 1001+21)   -> garment - 1001 in [0, NUM_GARMENT)
    #   index_group in [1, 11)       -> index_group - 1 in [0, NUM_IDXGROUP)
    customer = jax.random.randint(ks[0], (B,), 0, NUM_CUSTOMER)
    article = jax.random.randint(ks[1], (B,), 0, NUM_ARTICLES)
    age = jax.random.randint(ks[2], (B,), 1, NUM_AGE + 1)
    garment = jax.random.randint(ks[3], (B,), 1001, 1001 + NUM_GARMENT)
    idxg = jax.random.randint(ks[4], (B,), 1, 1 + NUM_IDXGROUP)
    row = jnp.stack([customer, article, age, garment, idxg], axis=1)

    s = 0.02
    params = {
        "row": row,
        "customer_embed": s * jax.random.normal(ks[5], (NUM_CUSTOMER, EMB), dtype=jnp.float32),
        "art_embed": s * jax.random.normal(ks[6], (NUM_ARTICLES, EMB), dtype=jnp.float32),
        "customer_bias": s * jax.random.normal(ks[7], (NUM_CUSTOMER, 1), dtype=jnp.float32),
        "article_bias": s * jax.random.normal(ks[8], (NUM_ARTICLES, 1), dtype=jnp.float32),
        "age_embed": s * jax.random.normal(ks[9], (NUM_AGE, EMB), dtype=jnp.float32),
        "indexgroup_embed": s * jax.random.normal(ks[10], (NUM_IDXGROUP, EMB), dtype=jnp.float32),
        "garmentgroup_embed": s * jax.random.normal(ks[11], (NUM_GARMENT, EMB), dtype=jnp.float32),
        "W_art": s * jax.random.normal(ks[12], (3 * EMB, EMB), dtype=jnp.float32),
        "b_art": jnp.zeros((EMB,), dtype=jnp.float32),
        "W_cust": s * jax.random.normal(ks[13], (2 * EMB, EMB), dtype=jnp.float32),
        "b_cust": jnp.zeros((EMB,), dtype=jnp.float32),
    }
    return params


def reference(row, customer_embed, art_embed, customer_bias, article_bias,
              age_embed, indexgroup_embed, garmentgroup_embed,
              W_art, b_art, W_cust, b_cust):
    customer = row[:, 0]
    article = row[:, 1]
    age = row[:, 2]
    garment_group = row[:, 3]
    index_group = row[:, 4]

    # age[age < 0] = 36
    age = jnp.where(age < 0, 36, age)
    garment_group = garment_group - 1001
    index_group = index_group - 1
    age = age - 1

    # customer_transform: sigmoid(Linear(cat(customer_embed, age_embed)))
    cust_cat = jnp.concatenate(
        [jnp.take(customer_embed, customer, axis=0),
         jnp.take(age_embed, age, axis=0)], axis=1)
    customer_matrix = jax.nn.sigmoid(cust_cat @ W_cust + b_cust)

    # article_transform: sigmoid(Linear(cat(article_embed, indexgroup_embed, garmentgroup_embed)))
    art_cat = jnp.concatenate(
        [jnp.take(art_embed, article, axis=0),
         jnp.take(indexgroup_embed, index_group, axis=0),
         jnp.take(garmentgroup_embed, garment_group, axis=0)], axis=1)
    article_matrix = jax.nn.sigmoid(art_cat @ W_art + b_art)

    x = (customer_matrix * article_matrix).sum(axis=1, keepdims=True)
    x = x + jnp.take(customer_bias, customer, axis=0) + jnp.take(article_bias, article, axis=0)
    return jax.nn.sigmoid(x)

if __name__ == "__main__":
    import jax
    _d = setup_inputs()
    print(jax.jit(kernel)(*tuple(_d.values())))

</pallas_src>

<mosaic_0001>
#map = affine_map<(d0, d1) -> (0)>
#map1 = affine_map<(d0, d1) -> (0, 0)>
module attributes {stable_mosaic.version = 14 : i64} {
  func.func @body(%arg0: i32, %arg1: i32, %arg2: memref<16384xi32, #tpu.memory_space<hbm>>, %arg3: memref<16384xi32, #tpu.memory_space<hbm>>, %arg4: memref<16384xi32, #tpu.memory_space<hbm>>, %arg5: memref<16384xi32, #tpu.memory_space<hbm>>, %arg6: memref<251904x128xf32, #tpu.memory_space<hbm>>, %arg7: memref<26624x128xf32, #tpu.memory_space<hbm>>, %arg8: memref<7813x128xf32, #tpu.memory_space<hbm>>, %arg9: memref<782x128xf32, #tpu.memory_space<hbm>>, %arg10: memref<16384x128xf32, #tpu.memory_space<hbm>>, %arg11: memref<16384x128xf32, #tpu.memory_space<hbm>>, %arg12: memref<16384x128xf32, #tpu.memory_space<hbm>>, %arg13: memref<16384x128xf32, #tpu.memory_space<hbm>>, %arg14: memref<128xi32, #tpu.memory_space<vmem>>, %arg15: memref<128xi32, #tpu.memory_space<vmem>>, %arg16: memref<128xi32, #tpu.memory_space<vmem>>, %arg17: memref<128xi32, #tpu.memory_space<vmem>>, %arg18: memref<128x128xf32, #tpu.memory_space<vmem>>, %arg19: memref<128x128xf32, #tpu.memory_space<vmem>>, %arg20: memref<128x128xf32, #tpu.memory_space<vmem>>, %arg21: memref<128x128xf32, #tpu.memory_space<vmem>>, %arg22: memref<!tpu.dma_semaphore, #tpu.memory_space<semaphore_mem>>) attributes {dimension_semantics = [#tpu.dimension_semantics<core_parallel>, #tpu.dimension_semantics<subcore_parallel>], iteration_bounds = array<i64: 2, 16>, scalar_prefetch = 0 : i64, scratch_operands = 9 : i64, tpu.core_type = #tpu.core_type<sc_vector_subcore>, window_params = [{transform_indices = #map}, {transform_indices = #map}, {transform_indices = #map}, {transform_indices = #map}, {transform_indices = #map1}, {transform_indices = #map1}, {transform_indices = #map1}, {transform_indices = #map1}, {transform_indices = #map1}, {transform_indices = #map1}, {transform_indices = #map1}, {transform_indices = #map1}]} {
    %mul3A = arith.constant 2 : i32
    %mul3A_0 = arith.muli %arg1, %mul3A : i32
    %add3A = arith.addi %mul3A_0, %arg0 : i32
    %mul3A_1 = arith.constant 512 : i32
    %mul3A_2 = arith.muli %add3A, %mul3A_1 : i32
    %add3A_3 = arith.constant 0 : i32
    %add3A_4 = arith.addi %mul3A_2, %add3A_3 : i32
    "tpu.region"() ({
      %run_scoped3A = tpu.sem_alloc : memref<!tpu.dma_semaphore, #tpu.memory_space<semaphore_mem>>
      %dma_start3A_111 = tpu.memref_slice %arg2[%add3A_4] : memref<16384xi32, #tpu.memory_space<hbm>> -> memref<128xi32, #tpu.memory_space<hbm>>
      %dma_start3A_112 = tpu.memref_slice %arg2[%add3A_4] : memref<16384xi32, #tpu.memory_space<hbm>> -> memref<128xi32, #tpu.memory_space<hbm>>
      tpu.enqueue_dma source(%dma_start3A_112 : memref<128xi32, #tpu.memory_space<hbm>>) target(%arg14 : memref<128xi32, #tpu.memory_space<vmem>>) target_semaphore(%run_scoped3A : memref<!tpu.dma_semaphore, #tpu.memory_space<semaphore_mem>>)
      %dma_wait3A_113 = tpu.memref_slice %arg2[%add3A_4] : memref<16384xi32, #tpu.memory_space<hbm>> -> memref<128xi32, #tpu.memory_space<hbm>>
      %dma_wait3A_114 = tpu.memref_slice %arg2[%add3A_4] : memref<16384xi32, #tpu.memory_space<hbm>> -> memref<128xi32, #tpu.memory_space<hbm>>
      tpu.wait_dma2 semaphore(%run_scoped3A : memref<!tpu.dma_semaphore, #tpu.memory_space<semaphore_mem>>) src(%dma_wait3A_114 : memref<128xi32, #tpu.memory_space<hbm>>) dst(%arg14 : memref<128xi32, #tpu.memory_space<vmem>>)
      tpu.yield
    }) : () -> ()
    "tpu.region"() ({
      %run_scoped3A = tpu.sem_alloc : memref<!tpu.dma_semaphore, #tpu.memory_space<semaphore_mem>>
      %dma_start3A_111 = tpu.memref_slice %arg3[%add3A_4] : memref<16384xi32, #tpu.memory_space<hbm>> -> memref<128xi32, #tpu.memory_space<hbm>>
      %dma_start3A_112 = tpu.memref_slice %arg3[%add3A_4] : memref<16384xi32, #tpu.memory_space<hbm>> -> memref<128xi32, #tpu.memory_space<hbm>>
      tpu.enqueue_dma source(%dma_start3A_112 : memref<128xi32, #tpu.memory_space<hbm>>) target(%arg15 : memref<128xi32, #tpu.memory_space<vmem>>) target_semaphore(%run_scoped3A : memref<!tpu.dma_semaphore, #tpu.memory_space<semaphore_mem>>)
      %dma_wait3A_113 = tpu.memref_slice %arg3[%add3A_4] : memref<16384xi32, #tpu.memory_space<hbm>> -> memref<128xi32, #tpu.memory_space<hbm>>
      %dma_wait3A_114 = tpu.memref_slice %arg3[%add3A_4] : memref<16384xi32, #tpu.memory_space<hbm>> -> memref<128xi32, #tpu.memory_space<hbm>>
      tpu.wait_dma2 semaphore(%run_scoped3A : memref<!tpu.dma_semaphore, #tpu.memory_space<semaphore_mem>>) src(%dma_wait3A_114 : memref<128xi32, #tpu.memory_space<hbm>>) dst(%arg15 : memref<128xi32, #tpu.memory_space<vmem>>)
      tpu.yield
    }) : () -> ()
    "tpu.region"() ({
      %run_scoped3A = tpu.sem_alloc : memref<!tpu.dma_semaphore, #tpu.memory_space<semaphore_mem>>
      %dma_start3A_111 = tpu.memref_slice %arg4[%add3A_4] : memref<16384xi32, #tpu.memory_space<hbm>> -> memref<128xi32, #tpu.memory_space<hbm>>
      %dma_start3A_112 = tpu.memref_slice %arg4[%add3A_4] : memref<16384xi32, #tpu.memory_space<hbm>> -> memref<128xi32, #tpu.memory_space<hbm>>
      tpu.enqueue_dma source(%dma_start3A_112 : memref<128xi32, #tpu.memory_space<hbm>>) target(%arg16 : memref<128xi32, #tpu.memory_space<vmem>>) target_semaphore(%run_scoped3A : memref<!tpu.dma_semaphore, #tpu.memory_space<semaphore_mem>>)
      %dma_wait3A_113 = tpu.memref_slice %arg4[%add3A_4] : memref<16384xi32, #tpu.memory_space<hbm>> -> memref<128xi32, #tpu.memory_space<hbm>>
      %dma_wait3A_114 = tpu.memref_slice %arg4[%add3A_4] : memref<16384xi32, #tpu.memory_space<hbm>> -> memref<128xi32, #tpu.memory_space<hbm>>
      tpu.wait_dma2 semaphore(%run_scoped3A : memref<!tpu.dma_semaphore, #tpu.memory_space<semaphore_mem>>) src(%dma_wait3A_114 : memref<128xi32, #tpu.memory_space<hbm>>) dst(%arg16 : memref<128xi32, #tpu.memory_space<vmem>>)
      tpu.yield
    }) : () -> ()
    "tpu.region"() ({
      %run_scoped3A = tpu.sem_alloc : memref<!tpu.dma_semaphore, #tpu.memory_space<semaphore_mem>>
      %dma_start3A_111 = tpu.memref_slice %arg5[%add3A_4] : memref<16384xi32, #tpu.memory_space<hbm>> -> memref<128xi32, #tpu.memory_space<hbm>>
      %dma_start3A_112 = tpu.memref_slice %arg5[%add3A_4] : memref<16384xi32, #tpu.memory_space<hbm>> -> memref<128xi32, #tpu.memory_space<hbm>>
      tpu.enqueue_dma source(%dma_start3A_112 : memref<128xi32, #tpu.memory_space<hbm>>) target(%arg17 : memref<128xi32, #tpu.memory_space<vmem>>) target_semaphore(%run_scoped3A : memref<!tpu.dma_semaphore, #tpu.memory_space<semaphore_mem>>)
      %dma_wait3A_113 = tpu.memref_slice %arg5[%add3A_4] : memref<16384xi32, #tpu.memory_space<hbm>> -> memref<128xi32, #tpu.memory_space<hbm>>
      %dma_wait3A_114 = tpu.memref_slice %arg5[%add3A_4] : memref<16384xi32, #tpu.memory_space<hbm>> -> memref<128xi32, #tpu.memory_space<hbm>>
      tpu.wait_dma2 semaphore(%run_scoped3A : memref<!tpu.dma_semaphore, #tpu.memory_space<semaphore_mem>>) src(%dma_wait3A_114 : memref<128xi32, #tpu.memory_space<hbm>>) dst(%arg17 : memref<128xi32, #tpu.memory_space<vmem>>)
      tpu.yield
    }) : () -> ()
    %dma_start3A = arith.constant 0 : i32
    %dma_start3A_5 = arith.constant 0 : i32
    %dma_start3A_6 = tpu.memref_slice %arg6[%dma_start3A, %dma_start3A_5] : memref<251904x128xf32, #tpu.memory_space<hbm>> -> memref<251904x128xf32, #tpu.memory_space<hbm>>
    tpu.enqueue_indirect_dma source(%dma_start3A_6 : memref<251904x128xf32, #tpu.memory_space<hbm>>) target(%arg18 : memref<128x128xf32, #tpu.memory_space<vmem>>) offsets(%arg14 : memref<128xi32, #tpu.memory_space<vmem>>) semaphore(%arg22 : memref<!tpu.dma_semaphore, #tpu.memory_space<semaphore_mem>>)
    %dma_start3A_7 = arith.constant 0 : i32
    %dma_start3A_8 = arith.constant 0 : i32
    %dma_start3A_9 = tpu.memref_slice %arg7[%dma_start3A_7, %dma_start3A_8] : memref<26624x128xf32, #tpu.memory_space<hbm>> -> memref<26624x128xf32, #tpu.memory_space<hbm>>
    tpu.enqueue_indirect_dma source(%dma_start3A_9 : memref<26624x128xf32, #tpu.memory_space<hbm>>) target(%arg19 : memref<128x128xf32, #tpu.memory_space<vmem>>) offsets(%arg15 : memref<128xi32, #tpu.memory_space<vmem>>) semaphore(%arg22 : memref<!tpu.dma_semaphore, #tpu.memory_space<semaphore_mem>>)
    %dma_start3A_10 = arith.constant 0 : i32
    %dma_start3A_11 = arith.constant 0 : i32
    %dma_start3A_12 = tpu.memref_slice %arg8[%dma_start3A_10, %dma_start3A_11] : memref<7813x128xf32, #tpu.memory_space<hbm>> -> memref<7813x128xf32, #tpu.memory_space<hbm>>
    tpu.enqueue_indirect_dma source(%dma_start3A_12 : memref<7813x128xf32, #tpu.memory_space<hbm>>) target(%arg20 : memref<128x128xf32, #tpu.memory_space<vmem>>) offsets(%arg16 : memref<128xi32, #tpu.memory_space<vmem>>) semaphore(%arg22 : memref<!tpu.dma_semaphore, #tpu.memory_space<semaphore_mem>>)
    %dma_start3A_13 = arith.constant 0 : i32
    %dma_start3A_14 = arith.constant 0 : i32
    %dma_start3A_15 = tpu.memref_slice %arg9[%dma_start3A_13, %dma_start3A_14] : memref<782x128xf32, #tpu.memory_space<hbm>> -> memref<782x128xf32, #tpu.memory_space<hbm>>
    tpu.enqueue_indirect_dma source(%dma_start3A_15 : memref<782x128xf32, #tpu.memory_space<hbm>>) target(%arg21 : memref<128x128xf32, #tpu.memory_space<vmem>>) offsets(%arg17 : memref<128xi32, #tpu.memory_space<vmem>>) semaphore(%arg22 : memref<!tpu.dma_semaphore, #tpu.memory_space<semaphore_mem>>)
    %dma_wait3A = arith.constant 0 : i32
    %dma_wait3A_16 = arith.constant 0 : i32
    %dma_wait3A_17 = tpu.memref_slice %arg6[%dma_wait3A, %dma_wait3A_16] : memref<251904x128xf32, #tpu.memory_space<hbm>> -> memref<251904x128xf32, #tpu.memory_space<hbm>>
    tpu.wait_indirect_dma semaphore(%arg22 : memref<!tpu.dma_semaphore, #tpu.memory_space<semaphore_mem>>) src(%dma_wait3A_17 : memref<251904x128xf32, #tpu.memory_space<hbm>>) dst(%arg18 : memref<128x128xf32, #tpu.memory_space<vmem>>)
    %dma_wait3A_18 = arith.constant 0 : i32
    %dma_wait3A_19 = arith.constant 0 : i32
    %dma_wait3A_20 = tpu.memref_slice %arg7[%dma_wait3A_18, %dma_wait3A_19] : memref<26624x128xf32, #tpu.memory_space<hbm>> -> memref<26624x128xf32, #tpu.memory_space<hbm>>
    tpu.wait_indirect_dma semaphore(%arg22 : memref<!tpu.dma_semaphore, #tpu.memory_space<semaphore_mem>>) src(%dma_wait3A_20 : memref<26624x128xf32, #tpu.memory_space<hbm>>) dst(%arg19 : memref<128x128xf32, #tpu.memory_space<vmem>>)
    %dma_wait3A_21 = arith.constant 0 : i32
    %dma_wait3A_22 = arith.constant 0 : i32
    %dma_wait3A_23 = tpu.memref_slice %arg8[%dma_wait3A_21, %dma_wait3A_22] : memref<7813x128xf32, #tpu.memory_space<hbm>> -> memref<7813x128xf32, #tpu.memory_space<hbm>>
    tpu.wait_indirect_dma semaphore(%arg22 : memref<!tpu.dma_semaphore, #tpu.memory_space<semaphore_mem>>) src(%dma_wait3A_23 : memref<7813x128xf32, #tpu.memory_space<hbm>>) dst(%arg20 : memref<128x128xf32, #tpu.memory_space<vmem>>)
    %dma_wait3A_24 = arith.constant 0 : i32
    %dma_wait3A_25 = arith.constant 0 : i32
    %dma_wait3A_26 = tpu.memref_slice %arg9[%dma_wait3A_24, %dma_wait3A_25] : memref<782x128xf32, #tpu.memory_space<hbm>> -> memref<782x128xf32, #tpu.memory_space<hbm>>
    tpu.wait_indirect_dma semaphore(%arg22 : memref<!tpu.dma_semaphore, #tpu.memory_space<semaphore_mem>>) src(%dma_wait3A_26 : memref<782x128xf32, #tpu.memory_space<hbm>>) dst(%arg21 : memref<128x128xf32, #tpu.memory_space<vmem>>)
    "tpu.region"() ({
      %run_scoped3A = tpu.sem_alloc : memref<!tpu.dma_semaphore, #tpu.memory_space<semaphore_mem>>
      %dma_start3A_111 = arith.constant 0 : i32
      %dma_start3A_112 = tpu.memref_slice %arg10[%add3A_4, %dma_start3A_111] : memref<16384x128xf32, #tpu.memory_space<hbm>> -> memref<128x128xf32, #tpu.memory_space<hbm>>
      %dma_start3A_113 = arith.constant 0 : i32
      %dma_start3A_114 = tpu.memref_slice %arg10[%add3A_4, %dma_start3A_113] : memref<16384x128xf32, #tpu.memory_space<hbm>> -> memref<128x128xf32, #tpu.memory_space<hbm>>
      tpu.enqueue_dma source(%arg18 : memref<128x128xf32, #tpu.memory_space<vmem>>) target(%dma_start3A_114 : memref<128x128xf32, #tpu.memory_space<hbm>>) target_semaphore(%run_scoped3A : memref<!tpu.dma_semaphore, #tpu.memory_space<semaphore_mem>>)
      %dma_wait3A_115 = arith.constant 0 : i32
      %dma_wait3A_116 = tpu.memref_slice %arg10[%add3A_4, %dma_wait3A_115] : memref<16384x128xf32, #tpu.memory_space<hbm>> -> memref<128x128xf32, #tpu.memory_space<hbm>>
      %dma_wait3A_117 = arith.constant 0 : i32
      %dma_wait3A_118 = tpu.memref_slice %arg10[%add3A_4, %dma_wait3A_117] : memref<16384x128xf32, #tpu.memory_space<hbm>> -> memref<128x128xf32, #tpu.memory_space<hbm>>
      tpu.wait_dma2 semaphore(%run_scoped3A : memref<!tpu.dma_semaphore, #tpu.memory_space<semaphore_mem>>) src(%arg18 : memref<128x128xf32, #tpu.memory_space<vmem>>) dst(%dma_wait3A_118 : memref<128x128xf32, #tpu.memory_space<hbm>>)
      tpu.yield
    }) : () -> ()
    "tpu.region"() ({
      %run_scoped3A = tpu.sem_alloc : memref<!tpu.dma_semaphore, #tpu.memory_space<semaphore_mem>>
      %dma_start3A_111 = arith.constant 0 : i32
      %dma_start3A_112 = tpu.memref_slice %arg11[%add3A_4, %dma_start3A_111] : memref<16384x128xf32, #tpu.memory_space<hbm>> -> memref<128x128xf32, #tpu.memory_space<hbm>>
      %dma_start3A_113 = arith.constant 0 : i32
      %dma_start3A_114 = tpu.memref_slice %arg11[%add3A_4, %dma_start3A_113] : memref<16384x128xf32, #tpu.memory_space<hbm>> -> memref<128x128xf32, #tpu.memory_space<hbm>>
      tpu.enqueue_dma source(%arg19 : memref<128x128xf32, #tpu.memory_space<vmem>>) target(%dma_start3A_114 : memref<128x128xf32, #tpu.memory_space<hbm>>) target_semaphore(%run_scoped3A : memref<!tpu.dma_semaphore, #tpu.memory_space<semaphore_mem>>)
      %dma_wait3A_115 = arith.constant 0 : i32
      %dma_wait3A_116 = tpu.memref_slice %arg11[%add3A_4, %dma_wait3A_115] : memref<16384x128xf32, #tpu.memory_space<hbm>> -> memref<128x128xf32, #tpu.memory_space<hbm>>
      %dma_wait3A_117 = arith.constant 0 : i32
      %dma_wait3A_118 = tpu.memref_slice %arg11[%add3A_4, %dma_wait3A_117] : memref<16384x128xf32, #tpu.memory_space<hbm>> -> memref<128x128xf32, #tpu.memory_space<hbm>>
      tpu.wait_dma2 semaphore(%run_scoped3A : memref<!tpu.dma_semaphore, #tpu.memory_space<semaphore_mem>>) src(%arg19 : memref<128x128xf32, #tpu.memory_space<vmem>>) dst(%dma_wait3A_118 : memref<128x128xf32, #tpu.memory_space<hbm>>)
      tpu.yield
    }) : () -> ()
    "tpu.region"() ({
      %run_scoped3A = tpu.sem_alloc : memref<!tpu.dma_semaphore, #tpu.memory_space<semaphore_mem>>
      %dma_start3A_111 = arith.constant 0 : i32
      %dma_start3A_112 = tpu.memref_slice %arg12[%add3A_4, %dma_start3A_111] : memref<16384x128xf32, #tpu.memory_space<hbm>> -> memref<128x128xf32, #tpu.memory_space<hbm>>
      %dma_start3A_113 = arith.constant 0 : i32
      %dma_start3A_114 = tpu.memref_slice %arg12[%add3A_4, %dma_start3A_113] : memref<16384x128xf32, #tpu.memory_space<hbm>> -> memref<128x128xf32, #tpu.memory_space<hbm>>
      tpu.enqueue_dma source(%arg20 : memref<128x128xf32, #tpu.memory_space<vmem>>) target(%dma_start3A_114 : memref<128x128xf32, #tpu.memory_space<hbm>>) target_semaphore(%run_scoped3A : memref<!tpu.dma_semaphore, #tpu.memory_space<semaphore_mem>>)
      %dma_wait3A_115 = arith.constant 0 : i32
      %dma_wait3A_116 = tpu.memref_slice %arg12[%add3A_4, %dma_wait3A_115] : memref<16384x128xf32, #tpu.memory_space<hbm>> -> memref<128x128xf32, #tpu.memory_space<hbm>>
      %dma_wait3A_117 = arith.constant 0 : i32
      %dma_wait3A_118 = tpu.memref_slice %arg12[%add3A_4, %dma_wait3A_117] : memref<16384x128xf32, #tpu.memory_space<hbm>> -> memref<128x128xf32, #tpu.memory_space<hbm>>
      tpu.wait_dma2 semaphore(%run_scoped3A : memref<!tpu.dma_semaphore, #tpu.memory_space<semaphore_mem>>) src(%arg20 : memref<128x128xf32, #tpu.memory_space<vmem>>) dst(%dma_wait3A_118 : memref<128x128xf32, #tpu.memory_space<hbm>>)
      tpu.yield
    }) : () -> ()
    "tpu.region"() ({
      %run_scoped3A = tpu.sem_alloc : memref<!tpu.dma_semaphore, #tpu.memory_space<semaphore_mem>>
      %dma_start3A_111 = arith.constant 0 : i32
      %dma_start3A_112 = tpu.memref_slice %arg13[%add3A_4, %dma_start3A_111] : memref<16384x128xf32, #tpu.memory_space<hbm>> -> memref<128x128xf32, #tpu.memory_space<hbm>>
      %dma_start3A_113 = arith.constant 0 : i32
      %dma_start3A_114 = tpu.memref_slice %arg13[%add3A_4, %dma_start3A_113] : memref<16384x128xf32, #tpu.memory_space<hbm>> -> memref<128x128xf32, #tpu.memory_space<hbm>>
      tpu.enqueue_dma source(%arg21 : memref<128x128xf32, #tpu.memory_space<vmem>>) target(%dma_start3A_114 : memref<128x128xf32, #tpu.memory_space<hbm>>) target_semaphore(%run_scoped3A : memref<!tpu.dma_semaphore, #tpu.memory_space<semaphore_mem>>)
      %dma_wait3A_115 = arith.constant 0 : i32
      %dma_wait3A_116 = tpu.memref_slice %arg13[%add3A_4, %dma_wait3A_115] : memref<16384x128xf32, #tpu.memory_space<hbm>> -> memref<128x128xf32, #tpu.memory_space<hbm>>
      %dma_wait3A_117 = arith.constant 0 : i32
      %dma_wait3A_118 = tpu.memref_slice %arg13[%add3A_4, %dma_wait3A_117] : memref<16384x128xf32, #tpu.memory_space<hbm>> -> memref<128x128xf32, #tpu.memory_space<hbm>>
      tpu.wait_dma2 semaphore(%run_scoped3A : memref<!tpu.dma_semaphore, #tpu.memory_space<semaphore_mem>>) src(%arg21 : memref<128x128xf32, #tpu.memory_space<vmem>>) dst(%dma_wait3A_118 : memref<128x128xf32, #tpu.memory_space<hbm>>)
      tpu.yield
    }) : () -> ()
    %mul3A_27 = arith.constant 512 : i32
    %mul3A_28 = arith.muli %add3A, %mul3A_27 : i32
    %add3A_29 = arith.constant 128 : i32
    %add3A_30 = arith.addi %mul3A_28, %add3A_29 : i32
    "tpu.region"() ({
      %run_scoped3A = tpu.sem_alloc : memref<!tpu.dma_semaphore, #tpu.memory_space<semaphore_mem>>
      %dma_start3A_111 = tpu.memref_slice %arg2[%add3A_30] : memref<16384xi32, #tpu.memory_space<hbm>> -> memref<128xi32, #tpu.memory_space<hbm>>
      %dma_start3A_112 = tpu.memref_slice %arg2[%add3A_30] : memref<16384xi32, #tpu.memory_space<hbm>> -> memref<128xi32, #tpu.memory_space<hbm>>
      tpu.enqueue_dma source(%dma_start3A_112 : memref<128xi32, #tpu.memory_space<hbm>>) target(%arg14 : memref<128xi32, #tpu.memory_space<vmem>>) target_semaphore(%run_scoped3A : memref<!tpu.dma_semaphore, #tpu.memory_space<semaphore_mem>>)
      %dma_wait3A_113 = tpu.memref_slice %arg2[%add3A_30] : memref<16384xi32, #tpu.memory_space<hbm>> -> memref<128xi32, #tpu.memory_space<hbm>>
      %dma_wait3A_114 = tpu.memref_slice %arg2[%add3A_30] : memref<16384xi32, #tpu.memory_space<hbm>> -> memref<128xi32, #tpu.memory_space<hbm>>
      tpu.wait_dma2 semaphore(%run_scoped3A : memref<!tpu.dma_semaphore, #tpu.memory_space<semaphore_mem>>) src(%dma_wait3A_114 : memref<128xi32, #tpu.memory_space<hbm>>) dst(%arg14 : memref<128xi32, #tpu.memory_space<vmem>>)
      tpu.yield
    }) : () -> ()
    "tpu.region"() ({
      %run_scoped3A = tpu.sem_alloc : memref<!tpu.dma_semaphore, #tpu.memory_space<semaphore_mem>>
      %dma_start3A_111 = tpu.memref_slice %arg3[%add3A_30] : memref<16384xi32, #tpu.memory_space<hbm>> -> memref<128xi32, #tpu.memory_space<hbm>>
      %dma_start3A_112 = tpu.memref_slice %arg3[%add3A_30] : memref<16384xi32, #tpu.memory_space<hbm>> -> memref<128xi32, #tpu.memory_space<hbm>>
      tpu.enqueue_dma source(%dma_start3A_112 : memref<128xi32, #tpu.memory_space<hbm>>) target(%arg15 : memref<128xi32, #tpu.memory_space<vmem>>) target_semaphore(%run_scoped3A : memref<!tpu.dma_semaphore, #tpu.memory_space<semaphore_mem>>)
      %dma_wait3A_113 = tpu.memref_slice %arg3[%add3A_30] : memref<16384xi32, #tpu.memory_space<hbm>> -> memref<128xi32, #tpu.memory_space<hbm>>
      %dma_wait3A_114 = tpu.memref_slice %arg3[%add3A_30] : memref<16384xi32, #tpu.memory_space<hbm>> -> memref<128xi32, #tpu.memory_space<hbm>>
      tpu.wait_dma2 semaphore(%run_scoped3A : memref<!tpu.dma_semaphore, #tpu.memory_space<semaphore_mem>>) src(%dma_wait3A_114 : memref<128xi32, #tpu.memory_space<hbm>>) dst(%arg15 : memref<128xi32, #tpu.memory_space<vmem>>)
      tpu.yield
    }) : () -> ()
    "tpu.region"() ({
      %run_scoped3A = tpu.sem_alloc : memref<!tpu.dma_semaphore, #tpu.memory_space<semaphore_mem>>
      %dma_start3A_111 = tpu.memref_slice %arg4[%add3A_30] : memref<16384xi32, #tpu.memory_space<hbm>> -> memref<128xi32, #tpu.memory_space<hbm>>
      %dma_start3A_112 = tpu.memref_slice %arg4[%add3A_30] : memref<16384xi32, #tpu.memory_space<hbm>> -> memref<128xi32, #tpu.memory_space<hbm>>
      tpu.enqueue_dma source(%dma_start3A_112 : memref<128xi32, #tpu.memory_space<hbm>>) target(%arg16 : memref<128xi32, #tpu.memory_space<vmem>>) target_semaphore(%run_scoped3A : memref<!tpu.dma_semaphore, #tpu.memory_space<semaphore_mem>>)
      %dma_wait3A_113 = tpu.memref_slice %arg4[%add3A_30] : memref<16384xi32, #tpu.memory_space<hbm>> -> memref<128xi32, #tpu.memory_space<hbm>>
      %dma_wait3A_114 = tpu.memref_slice %arg4[%add3A_30] : memref<16384xi32, #tpu.memory_space<hbm>> -> memref<128xi32, #tpu.memory_space<hbm>>
      tpu.wait_dma2 semaphore(%run_scoped3A : memref<!tpu.dma_semaphore, #tpu.memory_space<semaphore_mem>>) src(%dma_wait3A_114 : memref<128xi32, #tpu.memory_space<hbm>>) dst(%arg16 : memref<128xi32, #tpu.memory_space<vmem>>)
      tpu.yield
    }) : () -> ()
    "tpu.region"() ({
      %run_scoped3A = tpu.sem_alloc : memref<!tpu.dma_semaphore, #tpu.memory_space<semaphore_mem>>
      %dma_start3A_111 = tpu.memref_slice %arg5[%add3A_30] : memref<16384xi32, #tpu.memory_space<hbm>> -> memref<128xi32, #tpu.memory_space<hbm>>
      %dma_start3A_112 = tpu.memref_slice %arg5[%add3A_30] : memref<16384xi32, #tpu.memory_space<hbm>> -> memref<128xi32, #tpu.memory_space<hbm>>
      tpu.enqueue_dma source(%dma_start3A_112 : memref<128xi32, #tpu.memory_space<hbm>>) target(%arg17 : memref<128xi32, #tpu.memory_space<vmem>>) target_semaphore(%run_scoped3A : memref<!tpu.dma_semaphore, #tpu.memory_space<semaphore_mem>>)
      %dma_wait3A_113 = tpu.memref_slice %arg5[%add3A_30] : memref<16384xi32, #tpu.memory_space<hbm>> -> memref<128xi32, #tpu.memory_space<hbm>>
      %dma_wait3A_114 = tpu.memref_slice %arg5[%add3A_30] : memref<16384xi32, #tpu.memory_space<hbm>> -> memref<128xi32, #tpu.memory_space<hbm>>
      tpu.wait_dma2 semaphore(%run_scoped3A : memref<!tpu.dma_semaphore, #tpu.memory_space<semaphore_mem>>) src(%dma_wait3A_114 : memref<128xi32, #tpu.memory_space<hbm>>) dst(%arg17 : memref<128xi32, #tpu.memory_space<vmem>>)
      tpu.yield
    }) : () -> ()
    %dma_start3A_31 = arith.constant 0 : i32
    %dma_start3A_32 = arith.constant 0 : i32
    %dma_start3A_33 = tpu.memref_slice %arg6[%dma_start3A_31, %dma_start3A_32] : memref<251904x128xf32, #tpu.memory_space<hbm>> -> memref<251904x128xf32, #tpu.memory_space<hbm>>
    tpu.enqueue_indirect_dma source(%dma_start3A_33 : memref<251904x128xf32, #tpu.memory_space<hbm>>) target(%arg18 : memref<128x128xf32, #tpu.memory_space<vmem>>) offsets(%arg14 : memref<128xi32, #tpu.memory_space<vmem>>) semaphore(%arg22 : memref<!tpu.dma_semaphore, #tpu.memory_space<semaphore_mem>>)
    %dma_start3A_34 = arith.constant 0 : i32
    %dma_start3A_35 = arith.constant 0 : i32
    %dma_start3A_36 = tpu.memref_slice %arg7[%dma_start3A_34, %dma_start3A_35] : memref<26624x128xf32, #tpu.memory_space<hbm>> -> memref<26624x128xf32, #tpu.memory_space<hbm>>
    tpu.enqueue_indirect_dma source(%dma_start3A_36 : memref<26624x128xf32, #tpu.memory_space<hbm>>) target(%arg19 : memref<128x128xf32, #tpu.memory_space<vmem>>) offsets(%arg15 : memref<128xi32, #tpu.memory_space<vmem>>) semaphore(%arg22 : memref<!tpu.dma_semaphore, #tpu.memory_space<semaphore_mem>>)
    %dma_start3A_37 = arith.constant 0 : i32
    %dma_start3A_38 = arith.constant 0 : i32
    %dma_start3A_39 = tpu.memref_slice %arg8[%dma_start3A_37, %dma_start3A_38] : memref<7813x128xf32, #tpu.memory_space<hbm>> -> memref<7813x128xf32, #tpu.memory_space<hbm>>
    tpu.enqueue_indirect_dma source(%dma_start3A_39 : memref<7813x128xf32, #tpu.memory_space<hbm>>) target(%arg20 : memref<128x128xf32, #tpu.memory_space<vmem>>) offsets(%arg16 : memref<128xi32, #tpu.memory_space<vmem>>) semaphore(%arg22 : memref<!tpu.dma_semaphore, #tpu.memory_space<semaphore_mem>>)
    %dma_start3A_40 = arith.constant 0 : i32
    %dma_start3A_41 = arith.constant 0 : i32
    %dma_start3A_42 = tpu.memref_slice %arg9[%dma_start3A_40, %dma_start3A_41] : memref<782x128xf32, #tpu.memory_space<hbm>> -> memref<782x128xf32, #tpu.memory_space<hbm>>
    tpu.enqueue_indirect_dma source(%dma_start3A_42 : memref<782x128xf32, #tpu.memory_space<hbm>>) target(%arg21 : memref<128x128xf32, #tpu.memory_space<vmem>>) offsets(%arg17 : memref<128xi32, #tpu.memory_space<vmem>>) semaphore(%arg22 : memref<!tpu.dma_semaphore, #tpu.memory_space<semaphore_mem>>)
    %dma_wait3A_43 = arith.constant 0 : i32
    %dma_wait3A_44 = arith.constant 0 : i32
    %dma_wait3A_45 = tpu.memref_slice %arg6[%dma_wait3A_43, %dma_wait3A_44] : memref<251904x128xf32, #tpu.memory_space<hbm>> -> memref<251904x128xf32, #tpu.memory_space<hbm>>
    tpu.wait_indirect_dma semaphore(%arg22 : memref<!tpu.dma_semaphore, #tpu.memory_space<semaphore_mem>>) src(%dma_wait3A_45 : memref<251904x128xf32, #tpu.memory_space<hbm>>) dst(%arg18 : memref<128x128xf32, #tpu.memory_space<vmem>>)
    %dma_wait3A_46 = arith.constant 0 : i32
    %dma_wait3A_47 = arith.constant 0 : i32
    %dma_wait3A_48 = tpu.memref_slice %arg7[%dma_wait3A_46, %dma_wait3A_47] : memref<26624x128xf32, #tpu.memory_space<hbm>> -> memref<26624x128xf32, #tpu.memory_space<hbm>>
    tpu.wait_indirect_dma semaphore(%arg22 : memref<!tpu.dma_semaphore, #tpu.memory_space<semaphore_mem>>) src(%dma_wait3A_48 : memref<26624x128xf32, #tpu.memory_space<hbm>>) dst(%arg19 : memref<128x128xf32, #tpu.memory_space<vmem>>)
    %dma_wait3A_49 = arith.constant 0 : i32
    %dma_wait3A_50 = arith.constant 0 : i32
    %dma_wait3A_51 = tpu.memref_slice %arg8[%dma_wait3A_49, %dma_wait3A_50] : memref<7813x128xf32, #tpu.memory_space<hbm>> -> memref<7813x128xf32, #tpu.memory_space<hbm>>
    tpu.wait_indirect_dma semaphore(%arg22 : memref<!tpu.dma_semaphore, #tpu.memory_space<semaphore_mem>>) src(%dma_wait3A_51 : memref<7813x128xf32, #tpu.memory_space<hbm>>) dst(%arg20 : memref<128x128xf32, #tpu.memory_space<vmem>>)
    %dma_wait3A_52 = arith.constant 0 : i32
    %dma_wait3A_53 = arith.constant 0 : i32
    %dma_wait3A_54 = tpu.memref_slice %arg9[%dma_wait3A_52, %dma_wait3A_53] : memref<782x128xf32, #tpu.memory_space<hbm>> -> memref<782x128xf32, #tpu.memory_space<hbm>>
    tpu.wait_indirect_dma semaphore(%arg22 : memref<!tpu.dma_semaphore, #tpu.memory_space<semaphore_mem>>) src(%dma_wait3A_54 : memref<782x128xf32, #tpu.memory_space<hbm>>) dst(%arg21 : memref<128x128xf32, #tpu.memory_space<vmem>>)
    "tpu.region"() ({
      %run_scoped3A = tpu.sem_alloc : memref<!tpu.dma_semaphore, #tpu.memory_space<semaphore_mem>>
      %dma_start3A_111 = arith.constant 0 : i32
      %dma_start3A_112 = tpu.memref_slice %arg10[%add3A_30, %dma_start3A_111] : memref<16384x128xf32, #tpu.memory_space<hbm>> -> memref<128x128xf32, #tpu.memory_space<hbm>>
      %dma_start3A_113 = arith.constant 0 : i32
      %dma_start3A_114 = tpu.memref_slice %arg10[%add3A_30, %dma_start3A_113] : memref<16384x128xf32, #tpu.memory_space<hbm>> -> memref<128x128xf32, #tpu.memory_space<hbm>>
      tpu.enqueue_dma source(%arg18 : memref<128x128xf32, #tpu.memory_space<vmem>>) target(%dma_start3A_114 : memref<128x128xf32, #tpu.memory_space<hbm>>) target_semaphore(%run_scoped3A : memref<!tpu.dma_semaphore, #tpu.memory_space<semaphore_mem>>)
      %dma_wait3A_115 = arith.constant 0 : i32
      %dma_wait3A_116 = tpu.memref_slice %arg10[%add3A_30, %dma_wait3A_115] : memref<16384x128xf32, #tpu.memory_space<hbm>> -> memref<128x128xf32, #tpu.memory_space<hbm>>
      %dma_wait3A_117 = arith.constant 0 : i32
      %dma_wait3A_118 = tpu.memref_slice %arg10[%add3A_30, %dma_wait3A_117] : memref<16384x128xf32, #tpu.memory_space<hbm>> -> memref<128x128xf32, #tpu.memory_space<hbm>>
      tpu.wait_dma2 semaphore(%run_scoped3A : memref<!tpu.dma_semaphore, #tpu.memory_space<semaphore_mem>>) src(%arg18 : memref<128x128xf32, #tpu.memory_space<vmem>>) dst(%dma_wait3A_118 : memref<128x128xf32, #tpu.memory_space<hbm>>)
      tpu.yield
    }) : () -> ()
    "tpu.region"() ({
      %run_scoped3A = tpu.sem_alloc : memref<!tpu.dma_semaphore, #tpu.memory_space<semaphore_mem>>
      %dma_start3A_111 = arith.constant 0 : i32
      %dma_start3A_112 = tpu.memref_slice %arg11[%add3A_30, %dma_start3A_111] : memref<16384x128xf32, #tpu.memory_space<hbm>> -> memref<128x128xf32, #tpu.memory_space<hbm>>
      %dma_start3A_113 = arith.constant 0 : i32
      %dma_start3A_114 = tpu.memref_slice %arg11[%add3A_30, %dma_start3A_113] : memref<16384x128xf32, #tpu.memory_space<hbm>> -> memref<128x128xf32, #tpu.memory_space<hbm>>
      tpu.enqueue_dma source(%arg19 : memref<128x128xf32, #tpu.memory_space<vmem>>) target(%dma_start3A_114 : memref<128x128xf32, #tpu.memory_space<hbm>>) target_semaphore(%run_scoped3A : memref<!tpu.dma_semaphore, #tpu.memory_space<semaphore_mem>>)
      %dma_wait3A_115 = arith.constant 0 : i32
      %dma_wait3A_116 = tpu.memref_slice %arg11[%add3A_30, %dma_wait3A_115] : memref<16384x128xf32, #tpu.memory_space<hbm>> -> memref<128x128xf32, #tpu.memory_space<hbm>>
      %dma_wait3A_117 = arith.constant 0 : i32
      %dma_wait3A_118 = tpu.memref_slice %arg11[%add3A_30, %dma_wait3A_117] : memref<16384x128xf32, #tpu.memory_space<hbm>> -> memref<128x128xf32, #tpu.memory_space<hbm>>
      tpu.wait_dma2 semaphore(%run_scoped3A : memref<!tpu.dma_semaphore, #tpu.memory_space<semaphore_mem>>) src(%arg19 : memref<128x128xf32, #tpu.memory_space<vmem>>) dst(%dma_wait3A_118 : memref<128x128xf32, #tpu.memory_space<hbm>>)
      tpu.yield
    }) : () -> ()
    "tpu.region"() ({
      %run_scoped3A = tpu.sem_alloc : memref<!tpu.dma_semaphore, #tpu.memory_space<semaphore_mem>>
      %dma_start3A_111 = arith.constant 0 : i32
      %dma_start3A_112 = tpu.memref_slice %arg12[%add3A_30, %dma_start3A_111] : memref<16384x128xf32, #tpu.memory_space<hbm>> -> memref<128x128xf32, #tpu.memory_space<hbm>>
      %dma_start3A_113 = arith.constant 0 : i32
      %dma_start3A_114 = tpu.memref_slice %arg12[%add3A_30, %dma_start3A_113] : memref<16384x128xf32, #tpu.memory_space<hbm>> -> memref<128x128xf32, #tpu.memory_space<hbm>>
      tpu.enqueue_dma source(%arg20 : memref<128x128xf32, #tpu.memory_space<vmem>>) target(%dma_start3A_114 : memref<128x128xf32, #tpu.memory_space<hbm>>) target_semaphore(%run_scoped3A : memref<!tpu.dma_semaphore, #tpu.memory_space<semaphore_mem>>)
      %dma_wait3A_115 = arith.constant 0 : i32
      %dma_wait3A_116 = tpu.memref_slice %arg12[%add3A_30, %dma_wait3A_115] : memref<16384x128xf32, #tpu.memory_space<hbm>> -> memref<128x128xf32, #tpu.memory_space<hbm>>
      %dma_wait3A_117 = arith.constant 0 : i32
      %dma_wait3A_118 = tpu.memref_slice %arg12[%add3A_30, %dma_wait3A_117] : memref<16384x128xf32, #tpu.memory_space<hbm>> -> memref<128x128xf32, #tpu.memory_space<hbm>>
      tpu.wait_dma2 semaphore(%run_scoped3A : memref<!tpu.dma_semaphore, #tpu.memory_space<semaphore_mem>>) src(%arg20 : memref<128x128xf32, #tpu.memory_space<vmem>>) dst(%dma_wait3A_118 : memref<128x128xf32, #tpu.memory_space<hbm>>)
      tpu.yield
    }) : () -> ()
    "tpu.region"() ({
      %run_scoped3A = tpu.sem_alloc : memref<!tpu.dma_semaphore, #tpu.memory_space<semaphore_mem>>
      %dma_start3A_111 = arith.constant 0 : i32
      %dma_start3A_112 = tpu.memref_slice %arg13[%add3A_30, %dma_start3A_111] : memref<16384x128xf32, #tpu.memory_space<hbm>> -> memref<128x128xf32, #tpu.memory_space<hbm>>
      %dma_start3A_113 = arith.constant 0 : i32
      %dma_start3A_114 = tpu.memref_slice %arg13[%add3A_30, %dma_start3A_113] : memref<16384x128xf32, #tpu.memory_space<hbm>> -> memref<128x128xf32, #tpu.memory_space<hbm>>
      tpu.enqueue_dma source(%arg21 : memref<128x128xf32, #tpu.memory_space<vmem>>) target(%dma_start3A_114 : memref<128x128xf32, #tpu.memory_space<hbm>>) target_semaphore(%run_scoped3A : memref<!tpu.dma_semaphore, #tpu.memory_space<semaphore_mem>>)
      %dma_wait3A_115 = arith.constant 0 : i32
      %dma_wait3A_116 = tpu.memref_slice %arg13[%add3A_30, %dma_wait3A_115] : memref<16384x128xf32, #tpu.memory_space<hbm>> -> memref<128x128xf32, #tpu.memory_space<hbm>>
      %dma_wait3A_117 = arith.constant 0 : i32
      %dma_wait3A_118 = tpu.memref_slice %arg13[%add3A_30, %dma_wait3A_117] : memref<16384x128xf32, #tpu.memory_space<hbm>> -> memref<128x128xf32, #tpu.memory_space<hbm>>
      tpu.wait_dma2 semaphore(%run_scoped3A : memref<!tpu.dma_semaphore, #tpu.memory_space<semaphore_mem>>) src(%arg21 : memref<128x128xf32, #tpu.memory_space<vmem>>) dst(%dma_wait3A_118 : memref<128x128xf32, #tpu.memory_space<hbm>>)
      tpu.yield
    }) : () -> ()
    %mul3A_55 = arith.constant 512 : i32
    %mul3A_56 = arith.muli %add3A, %mul3A_55 : i32
    %add3A_57 = arith.constant 256 : i32
    %add3A_58 = arith.addi %mul3A_56, %add3A_57 : i32
    "tpu.region"() ({
      %run_scoped3A = tpu.sem_alloc : memref<!tpu.dma_semaphore, #tpu.memory_space<semaphore_mem>>
      %dma_start3A_111 = tpu.memref_slice %arg2[%add3A_58] : memref<16384xi32, #tpu.memory_space<hbm>> -> memref<128xi32, #tpu.memory_space<hbm>>
      %dma_start3A_112 = tpu.memref_slice %arg2[%add3A_58] : memref<16384xi32, #tpu.memory_space<hbm>> -> memref<128xi32, #tpu.memory_space<hbm>>
      tpu.enqueue_dma source(%dma_start3A_112 : memref<128xi32, #tpu.memory_space<hbm>>) target(%arg14 : memref<128xi32, #tpu.memory_space<vmem>>) target_semaphore(%run_scoped3A : memref<!tpu.dma_semaphore, #tpu.memory_space<semaphore_mem>>)
      %dma_wait3A_113 = tpu.memref_slice %arg2[%add3A_58] : memref<16384xi32, #tpu.memory_space<hbm>> -> memref<128xi32, #tpu.memory_space<hbm>>
      %dma_wait3A_114 = tpu.memref_slice %arg2[%add3A_58] : memref<16384xi32, #tpu.memory_space<hbm>> -> memref<128xi32, #tpu.memory_space<hbm>>
      tpu.wait_dma2 semaphore(%run_scoped3A : memref<!tpu.dma_semaphore, #tpu.memory_space<semaphore_mem>>) src(%dma_wait3A_114 : memref<128xi32, #tpu.memory_space<hbm>>) dst(%arg14 : memref<128xi32, #tpu.memory_space<vmem>>)
      tpu.yield
    }) : () -> ()
    "tpu.region"() ({
      %run_scoped3A = tpu.sem_alloc : memref<!tpu.dma_semaphore, #tpu.memory_space<semaphore_mem>>
      %dma_start3A_111 = tpu.memref_slice %arg3[%add3A_58] : memref<16384xi32, #tpu.memory_space<hbm>> -> memref<128xi32, #tpu.memory_space<hbm>>
      %dma_start3A_112 = tpu.memref_slice %arg3[%add3A_58] : memref<16384xi32, #tpu.memory_space<hbm>> -> memref<128xi32, #tpu.memory_space<hbm>>
      tpu.enqueue_dma source(%dma_start3A_112 : memref<128xi32, #tpu.memory_space<hbm>>) target(%arg15 : memref<128xi32, #tpu.memory_space<vmem>>) target_semaphore(%run_scoped3A : memref<!tpu.dma_semaphore, #tpu.memory_space<semaphore_mem>>)
      %dma_wait3A_113 = tpu.memref_slice %arg3[%add3A_58] : memref<16384xi32, #tpu.memory_space<hbm>> -> memref<128xi32, #tpu.memory_space<hbm>>
      %dma_wait3A_114 = tpu.memref_slice %arg3[%add3A_58] : memref<16384xi32, #tpu.memory_space<hbm>> -> memref<128xi32, #tpu.memory_space<hbm>>
      tpu.wait_dma2 semaphore(%run_scoped3A : memref<!tpu.dma_semaphore, #tpu.memory_space<semaphore_mem>>) src(%dma_wait3A_114 : memref<128xi32, #tpu.memory_space<hbm>>) dst(%arg15 : memref<128xi32, #tpu.memory_space<vmem>>)
      tpu.yield
    }) : () -> ()
    "tpu.region"() ({
      %run_scoped3A = tpu.sem_alloc : memref<!tpu.dma_semaphore, #tpu.memory_space<semaphore_mem>>
      %dma_start3A_111 = tpu.memref_slice %arg4[%add3A_58] : memref<16384xi32, #tpu.memory_space<hbm>> -> memref<128xi32, #tpu.memory_space<hbm>>
      %dma_start3A_112 = tpu.memref_slice %arg4[%add3A_58] : memref<16384xi32, #tpu.memory_space<hbm>> -> memref<128xi32, #tpu.memory_space<hbm>>
      tpu.enqueue_dma source(%dma_start3A_112 : memref<128xi32, #tpu.memory_space<hbm>>) target(%arg16 : memref<128xi32, #tpu.memory_space<vmem>>) target_semaphore(%run_scoped3A : memref<!tpu.dma_semaphore, #tpu.memory_space<semaphore_mem>>)
      %dma_wait3A_113 = tpu.memref_slice %arg4[%add3A_58] : memref<16384xi32, #tpu.memory_space<hbm>> -> memref<128xi32, #tpu.memory_space<hbm>>
      %dma_wait3A_114 = tpu.memref_slice %arg4[%add3A_58] : memref<16384xi32, #tpu.memory_space<hbm>> -> memref<128xi32, #tpu.memory_space<hbm>>
      tpu.wait_dma2 semaphore(%run_scoped3A : memref<!tpu.dma_semaphore, #tpu.memory_space<semaphore_mem>>) src(%dma_wait3A_114 : memref<128xi32, #tpu.memory_space<hbm>>) dst(%arg16 : memref<128xi32, #tpu.memory_space<vmem>>)
      tpu.yield
    }) : () -> ()
    "tpu.region"() ({
      %run_scoped3A = tpu.sem_alloc : memref<!tpu.dma_semaphore, #tpu.memory_space<semaphore_mem>>
      %dma_start3A_111 = tpu.memref_slice %arg5[%add3A_58] : memref<16384xi32, #tpu.memory_space<hbm>> -> memref<128xi32, #tpu.memory_space<hbm>>
      %dma_start3A_112 = tpu.memref_slice %arg5[%add3A_58] : memref<16384xi32, #tpu.memory_space<hbm>> -> memref<128xi32, #tpu.memory_space<hbm>>
      tpu.enqueue_dma source(%dma_start3A_112 : memref<128xi32, #tpu.memory_space<hbm>>) target(%arg17 : memref<128xi32, #tpu.memory_space<vmem>>) target_semaphore(%run_scoped3A : memref<!tpu.dma_semaphore, #tpu.memory_space<semaphore_mem>>)
      %dma_wait3A_113 = tpu.memref_slice %arg5[%add3A_58] : memref<16384xi32, #tpu.memory_space<hbm>> -> memref<128xi32, #tpu.memory_space<hbm>>
      %dma_wait3A_114 = tpu.memref_slice %arg5[%add3A_58] : memref<16384xi32, #tpu.memory_space<hbm>> -> memref<128xi32, #tpu.memory_space<hbm>>
      tpu.wait_dma2 semaphore(%run_scoped3A : memref<!tpu.dma_semaphore, #tpu.memory_space<semaphore_mem>>) src(%dma_wait3A_114 : memref<128xi32, #tpu.memory_space<hbm>>) dst(%arg17 : memref<128xi32, #tpu.memory_space<vmem>>)
      tpu.yield
    }) : () -> ()
    %dma_start3A_59 = arith.constant 0 : i32
    %dma_start3A_60 = arith.constant 0 : i32
    %dma_start3A_61 = tpu.memref_slice %arg6[%dma_start3A_59, %dma_start3A_60] : memref<251904x128xf32, #tpu.memory_space<hbm>> -> memref<251904x128xf32, #tpu.memory_space<hbm>>
    tpu.enqueue_indirect_dma source(%dma_start3A_61 : memref<251904x128xf32, #tpu.memory_space<hbm>>) target(%arg18 : memref<128x128xf32, #tpu.memory_space<vmem>>) offsets(%arg14 : memref<128xi32, #tpu.memory_space<vmem>>) semaphore(%arg22 : memref<!tpu.dma_semaphore, #tpu.memory_space<semaphore_mem>>)
    %dma_start3A_62 = arith.constant 0 : i32
    %dma_start3A_63 = arith.constant 0 : i32
    %dma_start3A_64 = tpu.memref_slice %arg7[%dma_start3A_62, %dma_start3A_63] : memref<26624x128xf32, #tpu.memory_space<hbm>> -> memref<26624x128xf32, #tpu.memory_space<hbm>>
    tpu.enqueue_indirect_dma source(%dma_start3A_64 : memref<26624x128xf32, #tpu.memory_space<hbm>>) target(%arg19 : memref<128x128xf32, #tpu.memory_space<vmem>>) offsets(%arg15 : memref<128xi32, #tpu.memory_space<vmem>>) semaphore(%arg22 : memref<!tpu.dma_semaphore, #tpu.memory_space<semaphore_mem>>)
    %dma_start3A_65 = arith.constant 0 : i32
    %dma_start3A_66 = arith.constant 0 : i32
    %dma_start3A_67 = tpu.memref_slice %arg8[%dma_start3A_65, %dma_start3A_66] : memref<7813x128xf32, #tpu.memory_space<hbm>> -> memref<7813x128xf32, #tpu.memory_space<hbm>>
    tpu.enqueue_indirect_dma source(%dma_start3A_67 : memref<7813x128xf32, #tpu.memory_space<hbm>>) target(%arg20 : memref<128x128xf32, #tpu.memory_space<vmem>>) offsets(%arg16 : memref<128xi32, #tpu.memory_space<vmem>>) semaphore(%arg22 : memref<!tpu.dma_semaphore, #tpu.memory_space<semaphore_mem>>)
    %dma_start3A_68 = arith.constant 0 : i32
    %dma_start3A_69 = arith.constant 0 : i32
    %dma_start3A_70 = tpu.memref_slice %arg9[%dma_start3A_68, %dma_start3A_69] : memref<782x128xf32, #tpu.memory_space<hbm>> -> memref<782x128xf32, #tpu.memory_space<hbm>>
    tpu.enqueue_indirect_dma source(%dma_start3A_70 : memref<782x128xf32, #tpu.memory_space<hbm>>) target(%arg21 : memref<128x128xf32, #tpu.memory_space<vmem>>) offsets(%arg17 : memref<128xi32, #tpu.memory_space<vmem>>) semaphore(%arg22 : memref<!tpu.dma_semaphore, #tpu.memory_space<semaphore_mem>>)
    %dma_wait3A_71 = arith.constant 0 : i32
    %dma_wait3A_72 = arith.constant 0 : i32
    %dma_wait3A_73 = tpu.memref_slice %arg6[%dma_wait3A_71, %dma_wait3A_72] : memref<251904x128xf32, #tpu.memory_space<hbm>> -> memref<251904x128xf32, #tpu.memory_space<hbm>>
    tpu.wait_indirect_dma semaphore(%arg22 : memref<!tpu.dma_semaphore, #tpu.memory_space<semaphore_mem>>) src(%dma_wait3A_73 : memref<251904x128xf32, #tpu.memory_space<hbm>>) dst(%arg18 : memref<128x128xf32, #tpu.memory_space<vmem>>)
    %dma_wait3A_74 = arith.constant 0 : i32
    %dma_wait3A_75 = arith.constant 0 : i32
    %dma_wait3A_76 = tpu.memref_slice %arg7[%dma_wait3A_74, %dma_wait3A_75] : memref<26624x128xf32, #tpu.memory_space<hbm>> -> memref<26624x128xf32, #tpu.memory_space<hbm>>
    tpu.wait_indirect_dma semaphore(%arg22 : memref<!tpu.dma_semaphore, #tpu.memory_space<semaphore_mem>>) src(%dma_wait3A_76 : memref<26624x128xf32, #tpu.memory_space<hbm>>) dst(%arg19 : memref<128x128xf32, #tpu.memory_space<vmem>>)
    %dma_wait3A_77 = arith.constant 0 : i32
    %dma_wait3A_78 = arith.constant 0 : i32
    %dma_wait3A_79 = tpu.memref_slice %arg8[%dma_wait3A_77, %dma_wait3A_78] : memref<7813x128xf32, #tpu.memory_space<hbm>> -> memref<7813x128xf32, #tpu.memory_space<hbm>>
    tpu.wait_indirect_dma semaphore(%arg22 : memref<!tpu.dma_semaphore, #tpu.memory_space<semaphore_mem>>) src(%dma_wait3A_79 : memref<7813x128xf32, #tpu.memory_space<hbm>>) dst(%arg20 : memref<128x128xf32, #tpu.memory_space<vmem>>)
    %dma_wait3A_80 = arith.constant 0 : i32
    %dma_wait3A_81 = arith.constant 0 : i32
    %dma_wait3A_82 = tpu.memref_slice %arg9[%dma_wait3A_80, %dma_wait3A_81] : memref<782x128xf32, #tpu.memory_space<hbm>> -> memref<782x128xf32, #tpu.memory_space<hbm>>
    tpu.wait_indirect_dma semaphore(%arg22 : memref<!tpu.dma_semaphore, #tpu.memory_space<semaphore_mem>>) src(%dma_wait3A_82 : memref<782x128xf32, #tpu.memory_space<hbm>>) dst(%arg21 : memref<128x128xf32, #tpu.memory_space<vmem>>)
    "tpu.region"() ({
      %run_scoped3A = tpu.sem_alloc : memref<!tpu.dma_semaphore, #tpu.memory_space<semaphore_mem>>
      %dma_start3A_111 = arith.constant 0 : i32
      %dma_start3A_112 = tpu.memref_slice %arg10[%add3A_58, %dma_start3A_111] : memref<16384x128xf32, #tpu.memory_space<hbm>> -> memref<128x128xf32, #tpu.memory_space<hbm>>
      %dma_start3A_113 = arith.constant 0 : i32
      %dma_start3A_114 = tpu.memref_slice %arg10[%add3A_58, %dma_start3A_113] : memref<16384x128xf32, #tpu.memory_space<hbm>> -> memref<128x128xf32, #tpu.memory_space<hbm>>
      tpu.enqueue_dma source(%arg18 : memref<128x128xf32, #tpu.memory_space<vmem>>) target(%dma_start3A_114 : memref<128x128xf32, #tpu.memory_space<hbm>>) target_semaphore(%run_scoped3A : memref<!tpu.dma_semaphore, #tpu.memory_space<semaphore_mem>>)
      %dma_wait3A_115 = arith.constant 0 : i32
      %dma_wait3A_116 = tpu.memref_slice %arg10[%add3A_58, %dma_wait3A_115] : memref<16384x128xf32, #tpu.memory_space<hbm>> -> memref<128x128xf32, #tpu.memory_space<hbm>>
      %dma_wait3A_117 = arith.constant 0 : i32
      %dma_wait3A_118 = tpu.memref_slice %arg10[%add3A_58, %dma_wait3A_117] : memref<16384x128xf32, #tpu.memory_space<hbm>> -> memref<128x128xf32, #tpu.memory_space<hbm>>
      tpu.wait_dma2 semaphore(%run_scoped3A : memref<!tpu.dma_semaphore, #tpu.memory_space<semaphore_mem>>) src(%arg18 : memref<128x128xf32, #tpu.memory_space<vmem>>) dst(%dma_wait3A_118 : memref<128x128xf32, #tpu.memory_space<hbm>>)
      tpu.yield
    }) : () -> ()
    "tpu.region"() ({
      %run_scoped3A = tpu.sem_alloc : memref<!tpu.dma_semaphore, #tpu.memory_space<semaphore_mem>>
      %dma_start3A_111 = arith.constant 0 : i32
      %dma_start3A_112 = tpu.memref_slice %arg11[%add3A_58, %dma_start3A_111] : memref<16384x128xf32, #tpu.memory_space<hbm>> -> memref<128x128xf32, #tpu.memory_space<hbm>>
      %dma_start3A_113 = arith.constant 0 : i32
      %dma_start3A_114 = tpu.memref_slice %arg11[%add3A_58, %dma_start3A_113] : memref<16384x128xf32, #tpu.memory_space<hbm>> -> memref<128x128xf32, #tpu.memory_space<hbm>>
      tpu.enqueue_dma source(%arg19 : memref<128x128xf32, #tpu.memory_space<vmem>>) target(%dma_start3A_114 : memref<128x128xf32, #tpu.memory_space<hbm>>) target_semaphore(%run_scoped3A : memref<!tpu.dma_semaphore, #tpu.memory_space<semaphore_mem>>)
      %dma_wait3A_115 = arith.constant 0 : i32
      %dma_wait3A_116 = tpu.memref_slice %arg11[%add3A_58, %dma_wait3A_115] : memref<16384x128xf32, #tpu.memory_space<hbm>> -> memref<128x128xf32, #tpu.memory_space<hbm>>
      %dma_wait3A_117 = arith.constant 0 : i32
      %dma_wait3A_118 = tpu.memref_slice %arg11[%add3A_58, %dma_wait3A_117] : memref<16384x128xf32, #tpu.memory_space<hbm>> -> memref<128x128xf32, #tpu.memory_space<hbm>>
      tpu.wait_dma2 semaphore(%run_scoped3A : memref<!tpu.dma_semaphore, #tpu.memory_space<semaphore_mem>>) src(%arg19 : memref<128x128xf32, #tpu.memory_space<vmem>>) dst(%dma_wait3A_118 : memref<128x128xf32, #tpu.memory_space<hbm>>)
      tpu.yield
    }) : () -> ()
    "tpu.region"() ({
      %run_scoped3A = tpu.sem_alloc : memref<!tpu.dma_semaphore, #tpu.memory_space<semaphore_mem>>
      %dma_start3A_111 = arith.constant 0 : i32
      %dma_start3A_112 = tpu.memref_slice %arg12[%add3A_58, %dma_start3A_111] : memref<16384x128xf32, #tpu.memory_space<hbm>> -> memref<128x128xf32, #tpu.memory_space<hbm>>
      %dma_start3A_113 = arith.constant 0 : i32
      %dma_start3A_114 = tpu.memref_slice %arg12[%add3A_58, %dma_start3A_113] : memref<16384x128xf32, #tpu.memory_space<hbm>> -> memref<128x128xf32, #tpu.memory_space<hbm>>
      tpu.enqueue_dma source(%arg20 : memref<128x128xf32, #tpu.memory_space<vmem>>) target(%dma_start3A_114 : memref<128x128xf32, #tpu.memory_space<hbm>>) target_semaphore(%run_scoped3A : memref<!tpu.dma_semaphore, #tpu.memory_space<semaphore_mem>>)
      %dma_wait3A_115 = arith.constant 0 : i32
      %dma_wait3A_116 = tpu.memref_slice %arg12[%add3A_58, %dma_wait3A_115] : memref<16384x128xf32, #tpu.memory_space<hbm>> -> memref<128x128xf32, #tpu.memory_space<hbm>>
      %dma_wait3A_117 = arith.constant 0 : i32
      %dma_wait3A_118 = tpu.memref_slice %arg12[%add3A_58, %dma_wait3A_117] : memref<16384x128xf32, #tpu.memory_space<hbm>> -> memref<128x128xf32, #tpu.memory_space<hbm>>
      tpu.wait_dma2 semaphore(%run_scoped3A : memref<!tpu.dma_semaphore, #tpu.memory_space<semaphore_mem>>) src(%arg20 : memref<128x128xf32, #tpu.memory_space<vmem>>) dst(%dma_wait3A_118 : memref<128x128xf32, #tpu.memory_space<hbm>>)
      tpu.yield
    }) : () -> ()
    "tpu.region"() ({
      %run_scoped3A = tpu.sem_alloc : memref<!tpu.dma_semaphore, #tpu.memory_space<semaphore_mem>>
      %dma_start3A_111 = arith.constant 0 : i32
      %dma_start3A_112 = tpu.memref_slice %arg13[%add3A_58, %dma_start3A_111] : memref<16384x128xf32, #tpu.memory_space<hbm>> -> memref<128x128xf32, #tpu.memory_space<hbm>>
      %dma_start3A_113 = arith.constant 0 : i32
      %dma_start3A_114 = tpu.memref_slice %arg13[%add3A_58, %dma_start3A_113] : memref<16384x128xf32, #tpu.memory_space<hbm>> -> memref<128x128xf32, #tpu.memory_space<hbm>>
      tpu.enqueue_dma source(%arg21 : memref<128x128xf32, #tpu.memory_space<vmem>>) target(%dma_start3A_114 : memref<128x128xf32, #tpu.memory_space<hbm>>) target_semaphore(%run_scoped3A : memref<!tpu.dma_semaphore, #tpu.memory_space<semaphore_mem>>)
      %dma_wait3A_115 = arith.constant 0 : i32
      %dma_wait3A_116 = tpu.memref_slice %arg13[%add3A_58, %dma_wait3A_115] : memref<16384x128xf32, #tpu.memory_space<hbm>> -> memref<128x128xf32, #tpu.memory_space<hbm>>
      %dma_wait3A_117 = arith.constant 0 : i32
      %dma_wait3A_118 = tpu.memref_slice %arg13[%add3A_58, %dma_wait3A_117] : memref<16384x128xf32, #tpu.memory_space<hbm>> -> memref<128x128xf32, #tpu.memory_space<hbm>>
      tpu.wait_dma2 semaphore(%run_scoped3A : memref<!tpu.dma_semaphore, #tpu.memory_space<semaphore_mem>>) src(%arg21 : memref<128x128xf32, #tpu.memory_space<vmem>>) dst(%dma_wait3A_118 : memref<128x128xf32, #tpu.memory_space<hbm>>)
      tpu.yield
    }) : () -> ()
    %mul3A_83 = arith.constant 512 : i32
    %mul3A_84 = arith.muli %add3A, %mul3A_83 : i32
    %add3A_85 = arith.constant 384 : i32
    %add3A_86 = arith.addi %mul3A_84, %add3A_85 : i32
    "tpu.region"() ({
      %run_scoped3A = tpu.sem_alloc : memref<!tpu.dma_semaphore, #tpu.memory_space<semaphore_mem>>
      %dma_start3A_111 = tpu.memref_slice %arg2[%add3A_86] : memref<16384xi32, #tpu.memory_space<hbm>> -> memref<128xi32, #tpu.memory_space<hbm>>
      %dma_start3A_112 = tpu.memref_slice %arg2[%add3A_86] : memref<16384xi32, #tpu.memory_space<hbm>> -> memref<128xi32, #tpu.memory_space<hbm>>
      tpu.enqueue_dma source(%dma_start3A_112 : memref<128xi32, #tpu.memory_space<hbm>>) target(%arg14 : memref<128xi32, #tpu.memory_space<vmem>>) target_semaphore(%run_scoped3A : memref<!tpu.dma_semaphore, #tpu.memory_space<semaphore_mem>>)
      %dma_wait3A_113 = tpu.memref_slice %arg2[%add3A_86] : memref<16384xi32, #tpu.memory_space<hbm>> -> memref<128xi32, #tpu.memory_space<hbm>>
      %dma_wait3A_114 = tpu.memref_slice %arg2[%add3A_86] : memref<16384xi32, #tpu.memory_space<hbm>> -> memref<128xi32, #tpu.memory_space<hbm>>
      tpu.wait_dma2 semaphore(%run_scoped3A : memref<!tpu.dma_semaphore, #tpu.memory_space<semaphore_mem>>) src(%dma_wait3A_114 : memref<128xi32, #tpu.memory_space<hbm>>) dst(%arg14 : memref<128xi32, #tpu.memory_space<vmem>>)
      tpu.yield
    }) : () -> ()
    "tpu.region"() ({
      %run_scoped3A = tpu.sem_alloc : memref<!tpu.dma_semaphore, #tpu.memory_space<semaphore_mem>>
      %dma_start3A_111 = tpu.memref_slice %arg3[%add3A_86] : memref<16384xi32, #tpu.memory_space<hbm>> -> memref<128xi32, #tpu.memory_space<hbm>>
      %dma_start3A_112 = tpu.memref_slice %arg3[%add3A_86] : memref<16384xi32, #tpu.memory_space<hbm>> -> memref<128xi32, #tpu.memory_space<hbm>>
      tpu.enqueue_dma source(%dma_start3A_112 : memref<128xi32, #tpu.memory_space<hbm>>) target(%arg15 : memref<128xi32, #tpu.memory_space<vmem>>) target_semaphore(%run_scoped3A : memref<!tpu.dma_semaphore, #tpu.memory_space<semaphore_mem>>)
      %dma_wait3A_113 = tpu.memref_slice %arg3[%add3A_86] : memref<16384xi32, #tpu.memory_space<hbm>> -> memref<128xi32, #tpu.memory_space<hbm>>
      %dma_wait3A_114 = tpu.memref_slice %arg3[%add3A_86] : memref<16384xi32, #tpu.memory_space<hbm>> -> memref<128xi32, #tpu.memory_space<hbm>>
      tpu.wait_dma2 semaphore(%run_scoped3A : memref<!tpu.dma_semaphore, #tpu.memory_space<semaphore_mem>>) src(%dma_wait3A_114 : memref<128xi32, #tpu.memory_space<hbm>>) dst(%arg15 : memref<128xi32, #tpu.memory_space<vmem>>)
      tpu.yield
    }) : () -> ()
    "tpu.region"() ({
      %run_scoped3A = tpu.sem_alloc : memref<!tpu.dma_semaphore, #tpu.memory_space<semaphore_mem>>
      %dma_start3A_111 = tpu.memref_slice %arg4[%add3A_86] : memref<16384xi32, #tpu.memory_space<hbm>> -> memref<128xi32, #tpu.memory_space<hbm>>
      %dma_start3A_112 = tpu.memref_slice %arg4[%add3A_86] : memref<16384xi32, #tpu.memory_space<hbm>> -> memref<128xi32, #tpu.memory_space<hbm>>
      tpu.enqueue_dma source(%dma_start3A_112 : memref<128xi32, #tpu.memory_space<hbm>>) target(%arg16 : memref<128xi32, #tpu.memory_space<vmem>>) target_semaphore(%run_scoped3A : memref<!tpu.dma_semaphore, #tpu.memory_space<semaphore_mem>>)
      %dma_wait3A_113 = tpu.memref_slice %arg4[%add3A_86] : memref<16384xi32, #tpu.memory_space<hbm>> -> memref<128xi32, #tpu.memory_space<hbm>>
      %dma_wait3A_114 = tpu.memref_slice %arg4[%add3A_86] : memref<16384xi32, #tpu.memory_space<hbm>> -> memref<128xi32, #tpu.memory_space<hbm>>
      tpu.wait_dma2 semaphore(%run_scoped3A : memref<!tpu.dma_semaphore, #tpu.memory_space<semaphore_mem>>) src(%dma_wait3A_114 : memref<128xi32, #tpu.memory_space<hbm>>) dst(%arg16 : memref<128xi32, #tpu.memory_space<vmem>>)
      tpu.yield
    }) : () -> ()
    "tpu.region"() ({
      %run_scoped3A = tpu.sem_alloc : memref<!tpu.dma_semaphore, #tpu.memory_space<semaphore_mem>>
      %dma_start3A_111 = tpu.memref_slice %arg5[%add3A_86] : memref<16384xi32, #tpu.memory_space<hbm>> -> memref<128xi32, #tpu.memory_space<hbm>>
      %dma_start3A_112 = tpu.memref_slice %arg5[%add3A_86] : memref<16384xi32, #tpu.memory_space<hbm>> -> memref<128xi32, #tpu.memory_space<hbm>>
      tpu.enqueue_dma source(%dma_start3A_112 : memref<128xi32, #tpu.memory_space<hbm>>) target(%arg17 : memref<128xi32, #tpu.memory_space<vmem>>) target_semaphore(%run_scoped3A : memref<!tpu.dma_semaphore, #tpu.memory_space<semaphore_mem>>)
      %dma_wait3A_113 = tpu.memref_slice %arg5[%add3A_86] : memref<16384xi32, #tpu.memory_space<hbm>> -> memref<128xi32, #tpu.memory_space<hbm>>
      %dma_wait3A_114 = tpu.memref_slice %arg5[%add3A_86] : memref<16384xi32, #tpu.memory_space<hbm>> -> memref<128xi32, #tpu.memory_space<hbm>>
      tpu.wait_dma2 semaphore(%run_scoped3A : memref<!tpu.dma_semaphore, #tpu.memory_space<semaphore_mem>>) src(%dma_wait3A_114 : memref<128xi32, #tpu.memory_space<hbm>>) dst(%arg17 : memref<128xi32, #tpu.memory_space<vmem>>)
      tpu.yield
    }) : () -> ()
    %dma_start3A_87 = arith.constant 0 : i32
    %dma_start3A_88 = arith.constant 0 : i32
    %dma_start3A_89 = tpu.memref_slice %arg6[%dma_start3A_87, %dma_start3A_88] : memref<251904x128xf32, #tpu.memory_space<hbm>> -> memref<251904x128xf32, #tpu.memory_space<hbm>>
    tpu.enqueue_indirect_dma source(%dma_start3A_89 : memref<251904x128xf32, #tpu.memory_space<hbm>>) target(%arg18 : memref<128x128xf32, #tpu.memory_space<vmem>>) offsets(%arg14 : memref<128xi32, #tpu.memory_space<vmem>>) semaphore(%arg22 : memref<!tpu.dma_semaphore, #tpu.memory_space<semaphore_mem>>)
    %dma_start3A_90 = arith.constant 0 : i32
    %dma_start3A_91 = arith.constant 0 : i32
    %dma_start3A_92 = tpu.memref_slice %arg7[%dma_start3A_90, %dma_start3A_91] : memref<26624x128xf32, #tpu.memory_space<hbm>> -> memref<26624x128xf32, #tpu.memory_space<hbm>>
    tpu.enqueue_indirect_dma source(%dma_start3A_92 : memref<26624x128xf32, #tpu.memory_space<hbm>>) target(%arg19 : memref<128x128xf32, #tpu.memory_space<vmem>>) offsets(%arg15 : memref<128xi32, #tpu.memory_space<vmem>>) semaphore(%arg22 : memref<!tpu.dma_semaphore, #tpu.memory_space<semaphore_mem>>)
    %dma_start3A_93 = arith.constant 0 : i32
    %dma_start3A_94 = arith.constant 0 : i32
    %dma_start3A_95 = tpu.memref_slice %arg8[%dma_start3A_93, %dma_start3A_94] : memref<7813x128xf32, #tpu.memory_space<hbm>> -> memref<7813x128xf32, #tpu.memory_space<hbm>>
    tpu.enqueue_indirect_dma source(%dma_start3A_95 : memref<7813x128xf32, #tpu.memory_space<hbm>>) target(%arg20 : memref<128x128xf32, #tpu.memory_space<vmem>>) offsets(%arg16 : memref<128xi32, #tpu.memory_space<vmem>>) semaphore(%arg22 : memref<!tpu.dma_semaphore, #tpu.memory_space<semaphore_mem>>)
    %dma_start3A_96 = arith.constant 0 : i32
    %dma_start3A_97 = arith.constant 0 : i32
    %dma_start3A_98 = tpu.memref_slice %arg9[%dma_start3A_96, %dma_start3A_97] : memref<782x128xf32, #tpu.memory_space<hbm>> -> memref<782x128xf32, #tpu.memory_space<hbm>>
    tpu.enqueue_indirect_dma source(%dma_start3A_98 : memref<782x128xf32, #tpu.memory_space<hbm>>) target(%arg21 : memref<128x128xf32, #tpu.memory_space<vmem>>) offsets(%arg17 : memref<128xi32, #tpu.memory_space<vmem>>) semaphore(%arg22 : memref<!tpu.dma_semaphore, #tpu.memory_space<semaphore_mem>>)
    %dma_wait3A_99 = arith.constant 0 : i32
    %dma_wait3A_100 = arith.constant 0 : i32
    %dma_wait3A_101 = tpu.memref_slice %arg6[%dma_wait3A_99, %dma_wait3A_100] : memref<251904x128xf32, #tpu.memory_space<hbm>> -> memref<251904x128xf32, #tpu.memory_space<hbm>>
    tpu.wait_indirect_dma semaphore(%arg22 : memref<!tpu.dma_semaphore, #tpu.memory_space<semaphore_mem>>) src(%dma_wait3A_101 : memref<251904x128xf32, #tpu.memory_space<hbm>>) dst(%arg18 : memref<128x128xf32, #tpu.memory_space<vmem>>)
    %dma_wait3A_102 = arith.constant 0 : i32
    %dma_wait3A_103 = arith.constant 0 : i32
    %dma_wait3A_104 = tpu.memref_slice %arg7[%dma_wait3A_102, %dma_wait3A_103] : memref<26624x128xf32, #tpu.memory_space<hbm>> -> memref<26624x128xf32, #tpu.memory_space<hbm>>
    tpu.wait_indirect_dma semaphore(%arg22 : memref<!tpu.dma_semaphore, #tpu.memory_space<semaphore_mem>>) src(%dma_wait3A_104 : memref<26624x128xf32, #tpu.memory_space<hbm>>) dst(%arg19 : memref<128x128xf32, #tpu.memory_space<vmem>>)
    %dma_wait3A_105 = arith.constant 0 : i32
    %dma_wait3A_106 = arith.constant 0 : i32
    %dma_wait3A_107 = tpu.memref_slice %arg8[%dma_wait3A_105, %dma_wait3A_106] : memref<7813x128xf32, #tpu.memory_space<hbm>> -> memref<7813x128xf32, #tpu.memory_space<hbm>>
    tpu.wait_indirect_dma semaphore(%arg22 : memref<!tpu.dma_semaphore, #tpu.memory_space<semaphore_mem>>) src(%dma_wait3A_107 : memref<7813x128xf32, #tpu.memory_space<hbm>>) dst(%arg20 : memref<128x128xf32, #tpu.memory_space<vmem>>)
    %dma_wait3A_108 = arith.constant 0 : i32
    %dma_wait3A_109 = arith.constant 0 : i32
    %dma_wait3A_110 = tpu.memref_slice %arg9[%dma_wait3A_108, %dma_wait3A_109] : memref<782x128xf32, #tpu.memory_space<hbm>> -> memref<782x128xf32, #tpu.memory_space<hbm>>
    tpu.wait_indirect_dma semaphore(%arg22 : memref<!tpu.dma_semaphore, #tpu.memory_space<semaphore_mem>>) src(%dma_wait3A_110 : memref<782x128xf32, #tpu.memory_space<hbm>>) dst(%arg21 : memref<128x128xf32, #tpu.memory_space<vmem>>)
    "tpu.region"() ({
      %run_scoped3A = tpu.sem_alloc : memref<!tpu.dma_semaphore, #tpu.memory_space<semaphore_mem>>
      %dma_start3A_111 = arith.constant 0 : i32
      %dma_start3A_112 = tpu.memref_slice %arg10[%add3A_86, %dma_start3A_111] : memref<16384x128xf32, #tpu.memory_space<hbm>> -> memref<128x128xf32, #tpu.memory_space<hbm>>
      %dma_start3A_113 = arith.constant 0 : i32
      %dma_start3A_114 = tpu.memref_slice %arg10[%add3A_86, %dma_start3A_113] : memref<16384x128xf32, #tpu.memory_space<hbm>> -> memref<128x128xf32, #tpu.memory_space<hbm>>
      tpu.enqueue_dma source(%arg18 : memref<128x128xf32, #tpu.memory_space<vmem>>) target(%dma_start3A_114 : memref<128x128xf32, #tpu.memory_space<hbm>>) target_semaphore(%run_scoped3A : memref<!tpu.dma_semaphore, #tpu.memory_space<semaphore_mem>>)
      %dma_wait3A_115 = arith.constant 0 : i32
      %dma_wait3A_116 = tpu.memref_slice %arg10[%add3A_86, %dma_wait3A_115] : memref<16384x128xf32, #tpu.memory_space<hbm>> -> memref<128x128xf32, #tpu.memory_space<hbm>>
      %dma_wait3A_117 = arith.constant 0 : i32
      %dma_wait3A_118 = tpu.memref_slice %arg10[%add3A_86, %dma_wait3A_117] : memref<16384x128xf32, #tpu.memory_space<hbm>> -> memref<128x128xf32, #tpu.memory_space<hbm>>
      tpu.wait_dma2 semaphore(%run_scoped3A : memref<!tpu.dma_semaphore, #tpu.memory_space<semaphore_mem>>) src(%arg18 : memref<128x128xf32, #tpu.memory_space<vmem>>) dst(%dma_wait3A_118 : memref<128x128xf32, #tpu.memory_space<hbm>>)
      tpu.yield
    }) : () -> ()
    "tpu.region"() ({
      %run_scoped3A = tpu.sem_alloc : memref<!tpu.dma_semaphore, #tpu.memory_space<semaphore_mem>>
      %dma_start3A_111 = arith.constant 0 : i32
      %dma_start3A_112 = tpu.memref_slice %arg11[%add3A_86, %dma_start3A_111] : memref<16384x128xf32, #tpu.memory_space<hbm>> -> memref<128x128xf32, #tpu.memory_space<hbm>>
      %dma_start3A_113 = arith.constant 0 : i32
      %dma_start3A_114 = tpu.memref_slice %arg11[%add3A_86, %dma_start3A_113] : memref<16384x128xf32, #tpu.memory_space<hbm>> -> memref<128x128xf32, #tpu.memory_space<hbm>>
      tpu.enqueue_dma source(%arg19 : memref<128x128xf32, #tpu.memory_space<vmem>>) target(%dma_start3A_114 : memref<128x128xf32, #tpu.memory_space<hbm>>) target_semaphore(%run_scoped3A : memref<!tpu.dma_semaphore, #tpu.memory_space<semaphore_mem>>)
      %dma_wait3A_115 = arith.constant 0 : i32
      %dma_wait3A_116 = tpu.memref_slice %arg11[%add3A_86, %dma_wait3A_115] : memref<16384x128xf32, #tpu.memory_space<hbm>> -> memref<128x128xf32, #tpu.memory_space<hbm>>
      %dma_wait3A_117 = arith.constant 0 : i32
      %dma_wait3A_118 = tpu.memref_slice %arg11[%add3A_86, %dma_wait3A_117] : memref<16384x128xf32, #tpu.memory_space<hbm>> -> memref<128x128xf32, #tpu.memory_space<hbm>>
      tpu.wait_dma2 semaphore(%run_scoped3A : memref<!tpu.dma_semaphore, #tpu.memory_space<semaphore_mem>>) src(%arg19 : memref<128x128xf32, #tpu.memory_space<vmem>>) dst(%dma_wait3A_118 : memref<128x128xf32, #tpu.memory_space<hbm>>)
      tpu.yield
    }) : () -> ()
    "tpu.region"() ({
      %run_scoped3A = tpu.sem_alloc : memref<!tpu.dma_semaphore, #tpu.memory_space<semaphore_mem>>
      %dma_start3A_111 = arith.constant 0 : i32
      %dma_start3A_112 = tpu.memref_slice %arg12[%add3A_86, %dma_start3A_111] : memref<16384x128xf32, #tpu.memory_space<hbm>> -> memref<128x128xf32, #tpu.memory_space<hbm>>
      %dma_start3A_113 = arith.constant 0 : i32
      %dma_start3A_114 = tpu.memref_slice %arg12[%add3A_86, %dma_start3A_113] : memref<16384x128xf32, #tpu.memory_space<hbm>> -> memref<128x128xf32, #tpu.memory_space<hbm>>
      tpu.enqueue_dma source(%arg20 : memref<128x128xf32, #tpu.memory_space<vmem>>) target(%dma_start3A_114 : memref<128x128xf32, #tpu.memory_space<hbm>>) target_semaphore(%run_scoped3A : memref<!tpu.dma_semaphore, #tpu.memory_space<semaphore_mem>>)
      %dma_wait3A_115 = arith.constant 0 : i32
      %dma_wait3A_116 = tpu.memref_slice %arg12[%add3A_86, %dma_wait3A_115] : memref<16384x128xf32, #tpu.memory_space<hbm>> -> memref<128x128xf32, #tpu.memory_space<hbm>>
      %dma_wait3A_117 = arith.constant 0 : i32
      %dma_wait3A_118 = tpu.memref_slice %arg12[%add3A_86, %dma_wait3A_117] : memref<16384x128xf32, #tpu.memory_space<hbm>> -> memref<128x128xf32, #tpu.memory_space<hbm>>
      tpu.wait_dma2 semaphore(%run_scoped3A : memref<!tpu.dma_semaphore, #tpu.memory_space<semaphore_mem>>) src(%arg20 : memref<128x128xf32, #tpu.memory_space<vmem>>) dst(%dma_wait3A_118 : memref<128x128xf32, #tpu.memory_space<hbm>>)
      tpu.yield
    }) : () -> ()
    "tpu.region"() ({
      %run_scoped3A = tpu.sem_alloc : memref<!tpu.dma_semaphore, #tpu.memory_space<semaphore_mem>>
      %dma_start3A_111 = arith.constant 0 : i32
      %dma_start3A_112 = tpu.memref_slice %arg13[%add3A_86, %dma_start3A_111] : memref<16384x128xf32, #tpu.memory_space<hbm>> -> memref<128x128xf32, #tpu.memory_space<hbm>>
      %dma_start3A_113 = arith.constant 0 : i32
      %dma_start3A_114 = tpu.memref_slice %arg13[%add3A_86, %dma_start3A_113] : memref<16384x128xf32, #tpu.memory_space<hbm>> -> memref<128x128xf32, #tpu.memory_space<hbm>>
      tpu.enqueue_dma source(%arg21 : memref<128x128xf32, #tpu.memory_space<vmem>>) target(%dma_start3A_114 : memref<128x128xf32, #tpu.memory_space<hbm>>) target_semaphore(%run_scoped3A : memref<!tpu.dma_semaphore, #tpu.memory_space<semaphore_mem>>)
      %dma_wait3A_115 = arith.constant 0 : i32
      %dma_wait3A_116 = tpu.memref_slice %arg13[%add3A_86, %dma_wait3A_115] : memref<16384x128xf32, #tpu.memory_space<hbm>> -> memref<128x128xf32, #tpu.memory_space<hbm>>
      %dma_wait3A_117 = arith.constant 0 : i32
      %dma_wait3A_118 = tpu.memref_slice %arg13[%add3A_86, %dma_wait3A_117] : memref<16384x128xf32, #tpu.memory_space<hbm>> -> memref<128x128xf32, #tpu.memory_space<hbm>>
      tpu.wait_dma2 semaphore(%run_scoped3A : memref<!tpu.dma_semaphore, #tpu.memory_space<semaphore_mem>>) src(%arg21 : memref<128x128xf32, #tpu.memory_space<vmem>>) dst(%dma_wait3A_118 : memref<128x128xf32, #tpu.memory_space<hbm>>)
      tpu.yield
    }) : () -> ()
    return
  }
}

module attributes {stable_mosaic.version = 14 : i64} {
  func.func @_project_body(%arg0: i32, %arg1: memref<32x8192xf32, #tpu.memory_space<vmem>>, %arg2: memref<128x128xf32, #tpu.memory_space<vmem>>, %arg3: memref<2048x128xf32, #tpu.memory_space<vmem>>) attributes {dimension_semantics = [#tpu.dimension_semantics<parallel>], iteration_bounds = array<i64: 123>, scalar_prefetch = 0 : i64, scratch_operands = 0 : i64, tpu.core_type = #tpu.core_type<tc>, window_params = [{transform_indices = @transform_0, window_bounds = array<i64: 32, 8192>}, {pipeline_mode = #tpu.pipeline_mode<synchronous>, transform_indices = @transform_1, window_bounds = array<i64: 128, 128>}, {transform_indices = @transform_2, window_bounds = array<i64: 2048, 128>}]} {
    %get3A = arith.constant 0 : index
    %get3A_0 = arith.constant 0 : index
    %get3A_1 = vector.load %arg1[%get3A, %get3A_0] : memref<32x8192xf32, #tpu.memory_space<vmem>>, vector<32x8192xf32>
    %get3A_2 = arith.constant 0 : index
    %get3A_3 = arith.constant 0 : index
    %get3A_4 = vector.load %arg2[%get3A_2, %get3A_3] : memref<128x128xf32, #tpu.memory_space<vmem>>, vector<128x128xf32>
    %slice3A = vector.extract_strided_slice %get3A_1 {offsets = [0, 0], sizes = [32, 128], strides = [1, 1]} : vector<32x8192xf32> to vector<32x128xf32>
    %slice3A_5 = vector.extract_strided_slice %get3A_1 {offsets = [0, 128], sizes = [32, 128], strides = [1, 1]} : vector<32x8192xf32> to vector<32x128xf32>
    %slice3A_6 = vector.extract_strided_slice %get3A_1 {offsets = [0, 256], sizes = [32, 128], strides = [1, 1]} : vector<32x8192xf32> to vector<32x128xf32>
    %slice3A_7 = vector.extract_strided_slice %get3A_1 {offsets = [0, 384], sizes = [32, 128], strides = [1, 1]} : vector<32x8192xf32> to vector<32x128xf32>
    %concatenate3A = tpu.concatenate %slice3A, %slice3A_5, %slice3A_6, %slice3A_7 in 0 : vector<32x128xf32>, vector<32x128xf32>, vector<32x128xf32>, vector<32x128xf32> -> vector<128x128xf32>
    %dot_general3A = arith.constant dense<0.000000e+00> : vector<128x128xf32>
    %dot_general3A_8 = tpu.matmul %concatenate3A, %get3A_4, %dot_general3A {dimension_numbers = #tpu.dot_dimension_numbers<[0], [0], [1], [1], [0, 1, 1, 1], [], []>, transpose_lhs_hint = false} : vector<128x128xf32>, vector<128x128xf32>, vector<128x128xf32> -> vector<128x128xf32>
    %slice3A_9 = vector.extract_strided_slice %get3A_1 {offsets = [0, 512], sizes = [32, 128], strides = [1, 1]} : vector<32x8192xf32> to vector<32x128xf32>
    %slice3A_10 = vector.extract_strided_slice %get3A_1 {offsets = [0, 640], sizes = [32, 128], strides = [1, 1]} : vector<32x8192xf32> to vector<32x128xf32>
    %slice3A_11 = vector.extract_strided_slice %get3A_1 {offsets = [0, 768], sizes = [32, 128], strides = [1, 1]} : vector<32x8192xf32> to vector<32x128xf32>
    %slice3A_12 = vector.extract_strided_slice %get3A_1 {offsets = [0, 896], sizes = [32, 128], strides = [1, 1]} : vector<32x8192xf32> to vector<32x128xf32>
    %concatenate3A_13 = tpu.concatenate %slice3A_9, %slice3A_10, %slice3A_11, %slice3A_12 in 0 : vector<32x128xf32>, vector<32x128xf32>, vector<32x128xf32>, vector<32x128xf32> -> vector<128x128xf32>
    %dot_general3A_14 = arith.constant dense<0.000000e+00> : vector<128x128xf32>
    %dot_general3A_15 = tpu.matmul %concatenate3A_13, %get3A_4, %dot_general3A_14 {dimension_numbers = #tpu.dot_dimension_numbers<[0], [0], [1], [1], [0, 1, 1, 1], [], []>, transpose_lhs_hint = false} : vector<128x128xf32>, vector<128x128xf32>, vector<128x128xf32> -> vector<128x128xf32>
    %slice3A_16 = vector.extract_strided_slice %get3A_1 {offsets = [0, 1024], sizes = [32, 128], strides = [1, 1]} : vector<32x8192xf32> to vector<32x128xf32>
    %slice3A_17 = vector.extract_strided_slice %get3A_1 {offsets = [0, 1152], sizes = [32, 128], strides = [1, 1]} : vector<32x8192xf32> to vector<32x128xf32>
    %slice3A_18 = vector.extract_strided_slice %get3A_1 {offsets = [0, 1280], sizes = [32, 128], strides = [1, 1]} : vector<32x8192xf32> to vector<32x128xf32>
    %slice3A_19 = vector.extract_strided_slice %get3A_1 {offsets = [0, 1408], sizes = [32, 128], strides = [1, 1]} : vector<32x8192xf32> to vector<32x128xf32>
    %concatenate3A_20 = tpu.concatenate %slice3A_16, %slice3A_17, %slice3A_18, %slice3A_19 in 0 : vector<32x128xf32>, vector<32x128xf32>, vector<32x128xf32>, vector<32x128xf32> -> vector<128x128xf32>
    %dot_general3A_21 = arith.constant dense<0.000000e+00> : vector<128x128xf32>
    %dot_general3A_22 = tpu.matmul %concatenate3A_20, %get3A_4, %dot_general3A_21 {dimension_numbers = #tpu.dot_dimension_numbers<[0], [0], [1], [1], [0, 1, 1, 1], [], []>, transpose_lhs_hint = false} : vector<128x128xf32>, vector<128x128xf32>, vector<128x128xf32> -> vector<128x128xf32>
    %slice3A_23 = vector.extract_strided_slice %get3A_1 {offsets = [0, 1536], sizes = [32, 128], strides = [1, 1]} : vector<32x8192xf32> to vector<32x128xf32>
    %slice3A_24 = vector.extract_strided_slice %get3A_1 {offsets = [0, 1664], sizes = [32, 128], strides = [1, 1]} : vector<32x8192xf32> to vector<32x128xf32>
    %slice3A_25 = vector.extract_strided_slice %get3A_1 {offsets = [0, 1792], sizes = [32, 128], strides = [1, 1]} : vector<32x8192xf32> to vector<32x128xf32>
    %slice3A_26 = vector.extract_strided_slice %get3A_1 {offsets = [0, 1920], sizes = [32, 128], strides = [1, 1]} : vector<32x8192xf32> to vector<32x128xf32>
    %concatenate3A_27 = tpu.concatenate %slice3A_23, %slice3A_24, %slice3A_25, %slice3A_26 in 0 : vector<32x128xf32>, vector<32x128xf32>, vector<32x128xf32>, vector<32x128xf32> -> vector<128x128xf32>
    %dot_general3A_28 = arith.constant dense<0.000000e+00> : vector<128x128xf32>
    %dot_general3A_29 = tpu.matmul %concatenate3A_27, %get3A_4, %dot_general3A_28 {dimension_numbers = #tpu.dot_dimension_numbers<[0], [0], [1], [1], [0, 1, 1, 1], [], []>, transpose_lhs_hint = false} : vector<128x128xf32>, vector<128x128xf32>, vector<128x128xf32> -> vector<128x128xf32>
    %slice3A_30 = vector.extract_strided_slice %get3A_1 {offsets = [0, 2048], sizes = [32, 128], strides = [1, 1]} : vector<32x8192xf32> to vector<32x128xf32>
    %slice3A_31 = vector.extract_strided_slice %get3A_1 {offsets = [0, 2176], sizes = [32, 128], strides = [1, 1]} : vector<32x8192xf32> to vector<32x128xf32>
    %slice3A_32 = vector.extract_strided_slice %get3A_1 {offsets = [0, 2304], sizes = [32, 128], strides = [1, 1]} : vector<32x8192xf32> to vector<32x128xf32>
    %slice3A_33 = vector.extract_strided_slice %get3A_1 {offsets = [0, 2432], sizes = [32, 128], strides = [1, 1]} : vector<32x8192xf32> to vector<32x128xf32>
    %concatenate3A_34 = tpu.concatenate %slice3A_30, %slice3A_31, %slice3A_32, %slice3A_33 in 0 : vector<32x128xf32>, vector<32x128xf32>, vector<32x128xf32>, vector<32x128xf32> -> vector<128x128xf32>
    %dot_general3A_35 = arith.constant dense<0.000000e+00> : vector<128x128xf32>
    %dot_general3A_36 = tpu.matmul %concatenate3A_34, %get3A_4, %dot_general3A_35 {dimension_numbers = #tpu.dot_dimension_numbers<[0], [0], [1], [1], [0, 1, 1, 1], [], []>, transpose_lhs_hint = false} : vector<128x128xf32>, vector<128x128xf32>, vector<128x128xf32> -> vector<128x128xf32>
    %slice3A_37 = vector.extract_strided_slice %get3A_1 {offsets = [0, 2560], sizes = [32, 128], strides = [1, 1]} : vector<32x8192xf32> to vector<32x128xf32>
    %slice3A_38 = vector.extract_strided_slice %get3A_1 {offsets = [0, 2688], sizes = [32, 128], strides = [1, 1]} : vector<32x8192xf32> to vector<32x128xf32>
    %slice3A_39 = vector.extract_strided_slice %get3A_1 {offsets = [0, 2816], sizes = [32, 128], strides = [1, 1]} : vector<32x8192xf32> to vector<32x128xf32>
    %slice3A_40 = vector.extract_strided_slice %get3A_1 {offsets = [0, 2944], sizes = [32, 128], strides = [1, 1]} : vector<32x8192xf32> to vector<32x128xf32>
    %concatenate3A_41 = tpu.concatenate %slice3A_37, %slice3A_38, %slice3A_39, %slice3A_40 in 0 : vector<32x128xf32>, vector<32x128xf32>, vector<32x128xf32>, vector<32x128xf32> -> vector<128x128xf32>
    %dot_general3A_42 = arith.constant dense<0.000000e+00> : vector<128x128xf32>
    %dot_general3A_43 = tpu.matmul %concatenate3A_41, %get3A_4, %dot_general3A_42 {dimension_numbers = #tpu.dot_dimension_numbers<[0], [0], [1], [1], [0, 1, 1, 1], [], []>, transpose_lhs_hint = false} : vector<128x128xf32>, vector<128x128xf32>, vector<128x128xf32> -> vector<128x128xf32>
    %slice3A_44 = vector.extract_strided_slice %get3A_1 {offsets = [0, 3072], sizes = [32, 128], strides = [1, 1]} : vector<32x8192xf32> to vector<32x128xf32>
    %slice3A_45 = vector.extract_strided_slice %get3A_1 {offsets = [0, 3200], sizes = [32, 128], strides = [1, 1]} : vector<32x8192xf32> to vector<32x128xf32>
    %slice3A_46 = vector.extract_strided_slice %get3A_1 {offsets = [0, 3328], sizes = [32, 128], strides = [1, 1]} : vector<32x8192xf32> to vector<32x128xf32>
    %slice3A_47 = vector.extract_strided_slice %get3A_1 {offsets = [0, 3456], sizes = [32, 128], strides = [1, 1]} : vector<32x8192xf32> to vector<32x128xf32>
    %concatenate3A_48 = tpu.concatenate %slice3A_44, %slice3A_45, %slice3A_46, %slice3A_47 in 0 : vector<32x128xf32>, vector<32x128xf32>, vector<32x128xf32>, vector<32x128xf32> -> vector<128x128xf32>
    %dot_general3A_49 = arith.constant dense<0.000000e+00> : vector<128x128xf32>
    %dot_general3A_50 = tpu.matmul %concatenate3A_48, %get3A_4, %dot_general3A_49 {dimension_numbers = #tpu.dot_dimension_numbers<[0], [0], [1], [1], [0, 1, 1, 1], [], []>, transpose_lhs_hint = false} : vector<128x128xf32>, vector<128x128xf32>, vector<128x128xf32> -> vector<128x128xf32>
    %slice3A_51 = vector.extract_strided_slice %get3A_1 {offsets = [0, 3584], sizes = [32, 128], strides = [1, 1]} : vector<32x8192xf32> to vector<32x128xf32>
    %slice3A_52 = vector.extract_strided_slice %get3A_1 {offsets = [0, 3712], sizes = [32, 128], strides = [1, 1]} : vector<32x8192xf32> to vector<32x128xf32>
    %slice3A_53 = vector.extract_strided_slice %get3A_1 {offsets = [0, 3840], sizes = [32, 128], strides = [1, 1]} : vector<32x8192xf32> to vector<32x128xf32>
    %slice3A_54 = vector.extract_strided_slice %get3A_1 {offsets = [0, 3968], sizes = [32, 128], strides = [1, 1]} : vector<32x8192xf32> to vector<32x128xf32>
    %concatenate3A_55 = tpu.concatenate %slice3A_51, %slice3A_52, %slice3A_53, %slice3A_54 in 0 : vector<32x128xf32>, vector<32x128xf32>, vector<32x128xf32>, vector<32x128xf32> -> vector<128x128xf32>
    %dot_general3A_56 = arith.constant dense<0.000000e+00> : vector<128x128xf32>
    %dot_general3A_57 = tpu.matmul %concatenate3A_55, %get3A_4, %dot_general3A_56 {dimension_numbers = #tpu.dot_dimension_numbers<[0], [0], [1], [1], [0, 1, 1, 1], [], []>, transpose_lhs_hint = false} : vector<128x128xf32>, vector<128x128xf32>, vector<128x128xf32> -> vector<128x128xf32>
    %slice3A_58 = vector.extract_strided_slice %get3A_1 {offsets = [0, 4096], sizes = [32, 128], strides = [1, 1]} : vector<32x8192xf32> to vector<32x128xf32>
    %slice3A_59 = vector.extract_strided_slice %get3A_1 {offsets = [0, 4224], sizes = [32, 128], strides = [1, 1]} : vector<32x8192xf32> to vector<32x128xf32>
    %slice3A_60 = vector.extract_strided_slice %get3A_1 {offsets = [0, 4352], sizes = [32, 128], strides = [1, 1]} : vector<32x8192xf32> to vector<32x128xf32>
    %slice3A_61 = vector.extract_strided_slice %get3A_1 {offsets = [0, 4480], sizes = [32, 128], strides = [1, 1]} : vector<32x8192xf32> to vector<32x128xf32>
    %concatenate3A_62 = tpu.concatenate %slice3A_58, %slice3A_59, %slice3A_60, %slice3A_61 in 0 : vector<32x128xf32>, vector<32x128xf32>, vector<32x128xf32>, vector<32x128xf32> -> vector<128x128xf32>
    %dot_general3A_63 = arith.constant dense<0.000000e+00> : vector<128x128xf32>
    %dot_general3A_64 = tpu.matmul %concatenate3A_62, %get3A_4, %dot_general3A_63 {dimension_numbers = #tpu.dot_dimension_numbers<[0], [0], [1], [1], [0, 1, 1, 1], [], []>, transpose_lhs_hint = false} : vector<128x128xf32>, vector<128x128xf32>, vector<128x128xf32> -> vector<128x128xf32>
    %slice3A_65 = vector.extract_strided_slice %get3A_1 {offsets = [0, 4608], sizes = [32, 128], strides = [1, 1]} : vector<32x8192xf32> to vector<32x128xf32>
    %slice3A_66 = vector.extract_strided_slice %get3A_1 {offsets = [0, 4736], sizes = [32, 128], strides = [1, 1]} : vector<32x8192xf32> to vector<32x128xf32>
    %slice3A_67 = vector.extract_strided_slice %get3A_1 {offsets = [0, 4864], sizes = [32, 128], strides = [1, 1]} : vector<32x8192xf32> to vector<32x128xf32>
    %slice3A_68 = vector.extract_strided_slice %get3A_1 {offsets = [0, 4992], sizes = [32, 128], strides = [1, 1]} : vector<32x8192xf32> to vector<32x128xf32>
    %concatenate3A_69 = tpu.concatenate %slice3A_65, %slice3A_66, %slice3A_67, %slice3A_68 in 0 : vector<32x128xf32>, vector<32x128xf32>, vector<32x128xf32>, vector<32x128xf32> -> vector<128x128xf32>
    %dot_general3A_70 = arith.constant dense<0.000000e+00> : vector<128x128xf32>
    %dot_general3A_71 = tpu.matmul %concatenate3A_69, %get3A_4, %dot_general3A_70 {dimension_numbers = #tpu.dot_dimension_numbers<[0], [0], [1], [1], [0, 1, 1, 1], [], []>, transpose_lhs_hint = false} : vector<128x128xf32>, vector<128x128xf32>, vector<128x128xf32> -> vector<128x128xf32>
    %slice3A_72 = vector.extract_strided_slice %get3A_1 {offsets = [0, 5120], sizes = [32, 128], strides = [1, 1]} : vector<32x8192xf32> to vector<32x128xf32>
    %slice3A_73 = vector.extract_strided_slice %get3A_1 {offsets = [0, 5248], sizes = [32, 128], strides = [1, 1]} : vector<32x8192xf32> to vector<32x128xf32>
    %slice3A_74 = vector.extract_strided_slice %get3A_1 {offsets = [0, 5376], sizes = [32, 128], strides = [1, 1]} : vector<32x8192xf32> to vector<32x128xf32>
    %slice3A_75 = vector.extract_strided_slice %get3A_1 {offsets = [0, 5504], sizes = [32, 128], strides = [1, 1]} : vector<32x8192xf32> to vector<32x128xf32>
    %concatenate3A_76 = tpu.concatenate %slice3A_72, %slice3A_73, %slice3A_74, %slice3A_75 in 0 : vector<32x128xf32>, vector<32x128xf32>, vector<32x128xf32>, vector<32x128xf32> -> vector<128x128xf32>
    %dot_general3A_77 = arith.constant dense<0.000000e+00> : vector<128x128xf32>
    %dot_general3A_78 = tpu.matmul %concatenate3A_76, %get3A_4, %dot_general3A_77 {dimension_numbers = #tpu.dot_dimension_numbers<[0], [0], [1], [1], [0, 1, 1, 1], [], []>, transpose_lhs_hint = false} : vector<128x128xf32>, vector<128x128xf32>, vector<128x128xf32> -> vector<128x128xf32>
    %slice3A_79 = vector.extract_strided_slice %get3A_1 {offsets = [0, 5632], sizes = [32, 128], strides = [1, 1]} : vector<32x8192xf32> to vector<32x128xf32>
    %slice3A_80 = vector.extract_strided_slice %get3A_1 {offsets = [0, 5760], sizes = [32, 128], strides = [1, 1]} : vector<32x8192xf32> to vector<32x128xf32>
    %slice3A_81 = vector.extract_strided_slice %get3A_1 {offsets = [0, 5888], sizes = [32, 128], strides = [1, 1]} : vector<32x8192xf32> to vector<32x128xf32>
    %slice3A_82 = vector.extract_strided_slice %get3A_1 {offsets = [0, 6016], sizes = [32, 128], strides = [1, 1]} : vector<32x8192xf32> to vector<32x128xf32>
    %concatenate3A_83 = tpu.concatenate %slice3A_79, %slice3A_80, %slice3A_81, %slice3A_82 in 0 : vector<32x128xf32>, vector<32x128xf32>, vector<32x128xf32>, vector<32x128xf32> -> vector<128x128xf32>
    %dot_general3A_84 = arith.constant dense<0.000000e+00> : vector<128x128xf32>
    %dot_general3A_85 = tpu.matmul %concatenate3A_83, %get3A_4, %dot_general3A_84 {dimension_numbers = #tpu.dot_dimension_numbers<[0], [0], [1], [1], [0, 1, 1, 1], [], []>, transpose_lhs_hint = false} : vector<128x128xf32>, vector<128x128xf32>, vector<128x128xf32> -> vector<128x128xf32>
    %slice3A_86 = vector.extract_strided_slice %get3A_1 {offsets = [0, 6144], sizes = [32, 128], strides = [1, 1]} : vector<32x8192xf32> to vector<32x128xf32>
    %slice3A_87 = vector.extract_strided_slice %get3A_1 {offsets = [0, 6272], sizes = [32, 128], strides = [1, 1]} : vector<32x8192xf32> to vector<32x128xf32>
    %slice3A_88 = vector.extract_strided_slice %get3A_1 {offsets = [0, 6400], sizes = [32, 128], strides = [1, 1]} : vector<32x8192xf32> to vector<32x128xf32>
    %slice3A_89 = vector.extract_strided_slice %get3A_1 {offsets = [0, 6528], sizes = [32, 128], strides = [1, 1]} : vector<32x8192xf32> to vector<32x128xf32>
    %concatenate3A_90 = tpu.concatenate %slice3A_86, %slice3A_87, %slice3A_88, %slice3A_89 in 0 : vector<32x128xf32>, vector<32x128xf32>, vector<32x128xf32>, vector<32x128xf32> -> vector<128x128xf32>
    %dot_general3A_91 = arith.constant dense<0.000000e+00> : vector<128x128xf32>
    %dot_general3A_92 = tpu.matmul %concatenate3A_90, %get3A_4, %dot_general3A_91 {dimension_numbers = #tpu.dot_dimension_numbers<[0], [0], [1], [1], [0, 1, 1, 1], [], []>, transpose_lhs_hint = false} : vector<128x128xf32>, vector<128x128xf32>, vector<128x128xf32> -> vector<128x128xf32>
    %slice3A_93 = vector.extract_strided_slice %get3A_1 {offsets = [0, 6656], sizes = [32, 128], strides = [1, 1]} : vector<32x8192xf32> to vector<32x128xf32>
    %slice3A_94 = vector.extract_strided_slice %get3A_1 {offsets = [0, 6784], sizes = [32, 128], strides = [1, 1]} : vector<32x8192xf32> to vector<32x128xf32>
    %slice3A_95 = vector.extract_strided_slice %get3A_1 {offsets = [0, 6912], sizes = [32, 128], strides = [1, 1]} : vector<32x8192xf32> to vector<32x128xf32>
    %slice3A_96 = vector.extract_strided_slice %get3A_1 {offsets = [0, 7040], sizes = [32, 128], strides = [1, 1]} : vector<32x8192xf32> to vector<32x128xf32>
    %concatenate3A_97 = tpu.concatenate %slice3A_93, %slice3A_94, %slice3A_95, %slice3A_96 in 0 : vector<32x128xf32>, vector<32x128xf32>, vector<32x128xf32>, vector<32x128xf32> -> vector<128x128xf32>
    %dot_general3A_98 = arith.constant dense<0.000000e+00> : vector<128x128xf32>
    %dot_general3A_99 = tpu.matmul %concatenate3A_97, %get3A_4, %dot_general3A_98 {dimension_numbers = #tpu.dot_dimension_numbers<[0], [0], [1], [1], [0, 1, 1, 1], [], []>, transpose_lhs_hint = false} : vector<128x128xf32>, vector<128x128xf32>, vector<128x128xf32> -> vector<128x128xf32>
    %slice3A_100 = vector.extract_strided_slice %get3A_1 {offsets = [0, 7168], sizes = [32, 128], strides = [1, 1]} : vector<32x8192xf32> to vector<32x128xf32>
    %slice3A_101 = vector.extract_strided_slice %get3A_1 {offsets = [0, 7296], sizes = [32, 128], strides = [1, 1]} : vector<32x8192xf32> to vector<32x128xf32>
    %slice3A_102 = vector.extract_strided_slice %get3A_1 {offsets = [0, 7424], sizes = [32, 128], strides = [1, 1]} : vector<32x8192xf32> to vector<32x128xf32>
    %slice3A_103 = vector.extract_strided_slice %get3A_1 {offsets = [0, 7552], sizes = [32, 128], strides = [1, 1]} : vector<32x8192xf32> to vector<32x128xf32>
    %concatenate3A_104 = tpu.concatenate %slice3A_100, %slice3A_101, %slice3A_102, %slice3A_103 in 0 : vector<32x128xf32>, vector<32x128xf32>, vector<32x128xf32>, vector<32x128xf32> -> vector<128x128xf32>
    %dot_general3A_105 = arith.constant dense<0.000000e+00> : vector<128x128xf32>
    %dot_general3A_106 = tpu.matmul %concatenate3A_104, %get3A_4, %dot_general3A_105 {dimension_numbers = #tpu.dot_dimension_numbers<[0], [0], [1], [1], [0, 1, 1, 1], [], []>, transpose_lhs_hint = false} : vector<128x128xf32>, vector<128x128xf32>, vector<128x128xf32> -> vector<128x128xf32>
    %slice3A_107 = vector.extract_strided_slice %get3A_1 {offsets = [0, 7680], sizes = [32, 128], strides = [1, 1]} : vector<32x8192xf32> to vector<32x128xf32>
    %slice3A_108 = vector.extract_strided_slice %get3A_1 {offsets = [0, 7808], sizes = [32, 128], strides = [1, 1]} : vector<32x8192xf32> to vector<32x128xf32>
    %slice3A_109 = vector.extract_strided_slice %get3A_1 {offsets = [0, 7936], sizes = [32, 128], strides = [1, 1]} : vector<32x8192xf32> to vector<32x128xf32>
    %slice3A_110 = vector.extract_strided_slice %get3A_1 {offsets = [0, 8064], sizes = [32, 128], strides = [1, 1]} : vector<32x8192xf32> to vector<32x128xf32>
    %concatenate3A_111 = tpu.concatenate %slice3A_107, %slice3A_108, %slice3A_109, %slice3A_110 in 0 : vector<32x128xf32>, vector<32x128xf32>, vector<32x128xf32>, vector<32x128xf32> -> vector<128x128xf32>
    %dot_general3A_112 = arith.constant dense<0.000000e+00> : vector<128x128xf32>
    %dot_general3A_113 = tpu.matmul %concatenate3A_111, %get3A_4, %dot_general3A_112 {dimension_numbers = #tpu.dot_dimension_numbers<[0], [0], [1], [1], [0, 1, 1, 1], [], []>, transpose_lhs_hint = false} : vector<128x128xf32>, vector<128x128xf32>, vector<128x128xf32> -> vector<128x128xf32>
    %concatenate3A_114 = tpu.concatenate %dot_general3A_8, %dot_general3A_15, %dot_general3A_22, %dot_general3A_29, %dot_general3A_36, %dot_general3A_43, %dot_general3A_50, %dot_general3A_57, %dot_general3A_64, %dot_general3A_71, %dot_general3A_78, %dot_general3A_85, %dot_general3A_92, %dot_general3A_99, %dot_general3A_106, %dot_general3A_113 in 0 : vector<128x128xf32>, vector<128x128xf32>, vector<128x128xf32>, vector<128x128xf32>, vector<128x128xf32>, vector<128x128xf32>, vector<128x128xf32>, vector<128x128xf32>, vector<128x128xf32>, vector<128x128xf32>, vector<128x128xf32>, vector<128x128xf32>, vector<128x128xf32>, vector<128x128xf32>, vector<128x128xf32>, vector<128x128xf32> -> vector<2048x128xf32>
    %swap3A = arith.constant 0 : index
    %swap3A_115 = arith.constant 0 : index
    %swap3A_116 = vector.load %arg3[%swap3A, %swap3A_115] : memref<2048x128xf32, #tpu.memory_space<vmem>>, vector<2048x128xf32>
    tpu.vector_store %arg3[%swap3A, %swap3A_115], %concatenate3A_114 {strides = array<i32>} : memref<2048x128xf32, #tpu.memory_space<vmem>>, vector<2048x128xf32>,
    return
  }
  func.func @transform_0(%arg0: i32) -> (i32, i32) {
    %c0_i32 = arith.constant 0 : i32
    %c0_i32_0 = arith.constant 0 : i32
    return %c0_i32, %arg0 : i32, i32
  }
  func.func @transform_1(%arg0: i32) -> (i32, i32) {
    %c0_i32 = arith.constant 0 : i32
    %c0_i32_0 = arith.constant 0 : i32
    %c0_i32_1 = arith.constant 0 : i32
    return %c0_i32, %c0_i32_0 : i32, i32
  }
  func.func @transform_2(%arg0: i32) -> (i32, i32) {
    %c0_i32 = arith.constant 0 : i32
    %c0_i32_0 = arith.constant 0 : i32
    return %arg0, %c0_i32 : i32, i32
  }
}

module attributes {stable_mosaic.version = 14 : i64} {
  func.func @_project_body(%arg0: i32, %arg1: memref<32x8192xf32, #tpu.memory_space<vmem>>, %arg2: memref<128x128xf32, #tpu.memory_space<vmem>>, %arg3: memref<2048x128xf32, #tpu.memory_space<vmem>>) attributes {dimension_semantics = [#tpu.dimension_semantics<parallel>], iteration_bounds = array<i64: 13>, scalar_prefetch = 0 : i64, scratch_operands = 0 : i64, tpu.core_type = #tpu.core_type<tc>, window_params = [{transform_indices = @transform_0, window_bounds = array<i64: 32, 8192>}, {pipeline_mode = #tpu.pipeline_mode<synchronous>, transform_indices = @transform_1, window_bounds = array<i64: 128, 128>}, {transform_indices = @transform_2, window_bounds = array<i64: 2048, 128>}]} {
    %get3A = arith.constant 0 : index
    %get3A_0 = arith.constant 0 : index
    %get3A_1 = vector.load %arg1[%get3A, %get3A_0] : memref<32x8192xf32, #tpu.memory_space<vmem>>, vector<32x8192xf32>
    %get3A_2 = arith.constant 0 : index
    %get3A_3 = arith.constant 0 : index
    %get3A_4 = vector.load %arg2[%get3A_2, %get3A_3] : memref<128x128xf32, #tpu.memory_space<vmem>>, vector<128x128xf32>
    %slice3A = vector.extract_strided_slice %get3A_1 {offsets = [0, 0], sizes = [32, 128], strides = [1, 1]} : vector<32x8192xf32> to vector<32x128xf32>
    %slice3A_5 = vector.extract_strided_slice %get3A_1 {offsets = [0, 128], sizes = [32, 128], strides = [1, 1]} : vector<32x8192xf32> to vector<32x128xf32>
    %slice3A_6 = vector.extract_strided_slice %get3A_1 {offsets = [0, 256], sizes = [32, 128], strides = [1, 1]} : vector<32x8192xf32> to vector<32x128xf32>
    %slice3A_7 = vector.extract_strided_slice %get3A_1 {offsets = [0, 384], sizes = [32, 128], strides = [1, 1]} : vector<32x8192xf32> to vector<32x128xf32>
    %concatenate3A = tpu.concatenate %slice3A, %slice3A_5, %slice3A_6, %slice3A_7 in 0 : vector<32x128xf32>, vector<32x128xf32>, vector<32x128xf32>, vector<32x128xf32> -> vector<128x128xf32>
    %dot_general3A = arith.constant dense<0.000000e+00> : vector<128x128xf32>
    %dot_general3A_8 = tpu.matmul %concatenate3A, %get3A_4, %dot_general3A {dimension_numbers = #tpu.dot_dimension_numbers<[0], [0], [1], [1], [0, 1, 1, 1], [], []>, transpose_lhs_hint = false} : vector<128x128xf32>, vector<128x128xf32>, vector<128x128xf32> -> vector<128x128xf32>
    %slice3A_9 = vector.extract_strided_slice %get3A_1 {offsets = [0, 512], sizes = [32, 128], strides = [1, 1]} : vector<32x8192xf32> to vector<32x128xf32>
    %slice3A_10 = vector.extract_strided_slice %get3A_1 {offsets = [0, 640], sizes = [32, 128], strides = [1, 1]} : vector<32x8192xf32> to vector<32x128xf32>
    %slice3A_11 = vector.extract_strided_slice %get3A_1 {offsets = [0, 768], sizes = [32, 128], strides = [1, 1]} : vector<32x8192xf32> to vector<32x128xf32>
    %slice3A_12 = vector.extract_strided_slice %get3A_1 {offsets = [0, 896], sizes = [32, 128], strides = [1, 1]} : vector<32x8192xf32> to vector<32x128xf32>
    %concatenate3A_13 = tpu.concatenate %slice3A_9, %slice3A_10, %slice3A_11, %slice3A_12 in 0 : vector<32x128xf32>, vector<32x128xf32>, vector<32x128xf32>, vector<32x128xf32> -> vector<128x128xf32>
    %dot_general3A_14 = arith.constant dense<0.000000e+00> : vector<128x128xf32>
    %dot_general3A_15 = tpu.matmul %concatenate3A_13, %get3A_4, %dot_general3A_14 {dimension_numbers = #tpu.dot_dimension_numbers<[0], [0], [1], [1], [0, 1, 1, 1], [], []>, transpose_lhs_hint = false} : vector<128x128xf32>, vector<128x128xf32>, vector<128x128xf32> -> vector<128x128xf32>
    %slice3A_16 = vector.extract_strided_slice %get3A_1 {offsets = [0, 1024], sizes = [32, 128], strides = [1, 1]} : vector<32x8192xf32> to vector<32x128xf32>
    %slice3A_17 = vector.extract_strided_slice %get3A_1 {offsets = [0, 1152], sizes = [32, 128], strides = [1, 1]} : vector<32x8192xf32> to vector<32x128xf32>
    %slice3A_18 = vector.extract_strided_slice %get3A_1 {offsets = [0, 1280], sizes = [32, 128], strides = [1, 1]} : vector<32x8192xf32> to vector<32x128xf32>
    %slice3A_19 = vector.extract_strided_slice %get3A_1 {offsets = [0, 1408], sizes = [32, 128], strides = [1, 1]} : vector<32x8192xf32> to vector<32x128xf32>
    %concatenate3A_20 = tpu.concatenate %slice3A_16, %slice3A_17, %slice3A_18, %slice3A_19 in 0 : vector<32x128xf32>, vector<32x128xf32>, vector<32x128xf32>, vector<32x128xf32> -> vector<128x128xf32>
    %dot_general3A_21 = arith.constant dense<0.000000e+00> : vector<128x128xf32>
    %dot_general3A_22 = tpu.matmul %concatenate3A_20, %get3A_4, %dot_general3A_21 {dimension_numbers = #tpu.dot_dimension_numbers<[0], [0], [1], [1], [0, 1, 1, 1], [], []>, transpose_lhs_hint = false} : vector<128x128xf32>, vector<128x128xf32>, vector<128x128xf32> -> vector<128x128xf32>
    %slice3A_23 = vector.extract_strided_slice %get3A_1 {offsets = [0, 1536], sizes = [32, 128], strides = [1, 1]} : vector<32x8192xf32> to vector<32x128xf32>
    %slice3A_24 = vector.extract_strided_slice %get3A_1 {offsets = [0, 1664], sizes = [32, 128], strides = [1, 1]} : vector<32x8192xf32> to vector<32x128xf32>
    %slice3A_25 = vector.extract_strided_slice %get3A_1 {offsets = [0, 1792], sizes = [32, 128], strides = [1, 1]} : vector<32x8192xf32> to vector<32x128xf32>
    %slice3A_26 = vector.extract_strided_slice %get3A_1 {offsets = [0, 1920], sizes = [32, 128], strides = [1, 1]} : vector<32x8192xf32> to vector<32x128xf32>
    %concatenate3A_27 = tpu.concatenate %slice3A_23, %slice3A_24, %slice3A_25, %slice3A_26 in 0 : vector<32x128xf32>, vector<32x128xf32>, vector<32x128xf32>, vector<32x128xf32> -> vector<128x128xf32>
    %dot_general3A_28 = arith.constant dense<0.000000e+00> : vector<128x128xf32>
    %dot_general3A_29 = tpu.matmul %concatenate3A_27, %get3A_4, %dot_general3A_28 {dimension_numbers = #tpu.dot_dimension_numbers<[0], [0], [1], [1], [0, 1, 1, 1], [], []>, transpose_lhs_hint = false} : vector<128x128xf32>, vector<128x128xf32>, vector<128x128xf32> -> vector<128x128xf32>
    %slice3A_30 = vector.extract_strided_slice %get3A_1 {offsets = [0, 2048], sizes = [32, 128], strides = [1, 1]} : vector<32x8192xf32> to vector<32x128xf32>
    %slice3A_31 = vector.extract_strided_slice %get3A_1 {offsets = [0, 2176], sizes = [32, 128], strides = [1, 1]} : vector<32x8192xf32> to vector<32x128xf32>
    %slice3A_32 = vector.extract_strided_slice %get3A_1 {offsets = [0, 2304], sizes = [32, 128], strides = [1, 1]} : vector<32x8192xf32> to vector<32x128xf32>
    %slice3A_33 = vector.extract_strided_slice %get3A_1 {offsets = [0, 2432], sizes = [32, 128], strides = [1, 1]} : vector<32x8192xf32> to vector<32x128xf32>
    %concatenate3A_34 = tpu.concatenate %slice3A_30, %slice3A_31, %slice3A_32, %slice3A_33 in 0 : vector<32x128xf32>, vector<32x128xf32>, vector<32x128xf32>, vector<32x128xf32> -> vector<128x128xf32>
    %dot_general3A_35 = arith.constant dense<0.000000e+00> : vector<128x128xf32>
    %dot_general3A_36 = tpu.matmul %concatenate3A_34, %get3A_4, %dot_general3A_35 {dimension_numbers = #tpu.dot_dimension_numbers<[0], [0], [1], [1], [0, 1, 1, 1], [], []>, transpose_lhs_hint = false} : vector<128x128xf32>, vector<128x128xf32>, vector<128x128xf32> -> vector<128x128xf32>
    %slice3A_37 = vector.extract_strided_slice %get3A_1 {offsets = [0, 2560], sizes = [32, 128], strides = [1, 1]} : vector<32x8192xf32> to vector<32x128xf32>
    %slice3A_38 = vector.extract_strided_slice %get3A_1 {offsets = [0, 2688], sizes = [32, 128], strides = [1, 1]} : vector<32x8192xf32> to vector<32x128xf32>
    %slice3A_39 = vector.extract_strided_slice %get3A_1 {offsets = [0, 2816], sizes = [32, 128], strides = [1, 1]} : vector<32x8192xf32> to vector<32x128xf32>
    %slice3A_40 = vector.extract_strided_slice %get3A_1 {offsets = [0, 2944], sizes = [32, 128], strides = [1, 1]} : vector<32x8192xf32> to vector<32x128xf32>
    %concatenate3A_41 = tpu.concatenate %slice3A_37, %slice3A_38, %slice3A_39, %slice3A_40 in 0 : vector<32x128xf32>, vector<32x128xf32>, vector<32x128xf32>, vector<32x128xf32> -> vector<128x128xf32>
    %dot_general3A_42 = arith.constant dense<0.000000e+00> : vector<128x128xf32>
    %dot_general3A_43 = tpu.matmul %concatenate3A_41, %get3A_4, %dot_general3A_42 {dimension_numbers = #tpu.dot_dimension_numbers<[0], [0], [1], [1], [0, 1, 1, 1], [], []>, transpose_lhs_hint = false} : vector<128x128xf32>, vector<128x128xf32>, vector<128x128xf32> -> vector<128x128xf32>
    %slice3A_44 = vector.extract_strided_slice %get3A_1 {offsets = [0, 3072], sizes = [32, 128], strides = [1, 1]} : vector<32x8192xf32> to vector<32x128xf32>
    %slice3A_45 = vector.extract_strided_slice %get3A_1 {offsets = [0, 3200], sizes = [32, 128], strides = [1, 1]} : vector<32x8192xf32> to vector<32x128xf32>
    %slice3A_46 = vector.extract_strided_slice %get3A_1 {offsets = [0, 3328], sizes = [32, 128], strides = [1, 1]} : vector<32x8192xf32> to vector<32x128xf32>
    %slice3A_47 = vector.extract_strided_slice %get3A_1 {offsets = [0, 3456], sizes = [32, 128], strides = [1, 1]} : vector<32x8192xf32> to vector<32x128xf32>
    %concatenate3A_48 = tpu.concatenate %slice3A_44, %slice3A_45, %slice3A_46, %slice3A_47 in 0 : vector<32x128xf32>, vector<32x128xf32>, vector<32x128xf32>, vector<32x128xf32> -> vector<128x128xf32>
    %dot_general3A_49 = arith.constant dense<0.000000e+00> : vector<128x128xf32>
    %dot_general3A_50 = tpu.matmul %concatenate3A_48, %get3A_4, %dot_general3A_49 {dimension_numbers = #tpu.dot_dimension_numbers<[0], [0], [1], [1], [0, 1, 1, 1], [], []>, transpose_lhs_hint = false} : vector<128x128xf32>, vector<128x128xf32>, vector<128x128xf32> -> vector<128x128xf32>
    %slice3A_51 = vector.extract_strided_slice %get3A_1 {offsets = [0, 3584], sizes = [32, 128], strides = [1, 1]} : vector<32x8192xf32> to vector<32x128xf32>
    %slice3A_52 = vector.extract_strided_slice %get3A_1 {offsets = [0, 3712], sizes = [32, 128], strides = [1, 1]} : vector<32x8192xf32> to vector<32x128xf32>
    %slice3A_53 = vector.extract_strided_slice %get3A_1 {offsets = [0, 3840], sizes = [32, 128], strides = [1, 1]} : vector<32x8192xf32> to vector<32x128xf32>
    %slice3A_54 = vector.extract_strided_slice %get3A_1 {offsets = [0, 3968], sizes = [32, 128], strides = [1, 1]} : vector<32x8192xf32> to vector<32x128xf32>
    %concatenate3A_55 = tpu.concatenate %slice3A_51, %slice3A_52, %slice3A_53, %slice3A_54 in 0 : vector<32x128xf32>, vector<32x128xf32>, vector<32x128xf32>, vector<32x128xf32> -> vector<128x128xf32>
    %dot_general3A_56 = arith.constant dense<0.000000e+00> : vector<128x128xf32>
    %dot_general3A_57 = tpu.matmul %concatenate3A_55, %get3A_4, %dot_general3A_56 {dimension_numbers = #tpu.dot_dimension_numbers<[0], [0], [1], [1], [0, 1, 1, 1], [], []>, transpose_lhs_hint = false} : vector<128x128xf32>, vector<128x128xf32>, vector<128x128xf32> -> vector<128x128xf32>
    %slice3A_58 = vector.extract_strided_slice %get3A_1 {offsets = [0, 4096], sizes = [32, 128], strides = [1, 1]} : vector<32x8192xf32> to vector<32x128xf32>
    %slice3A_59 = vector.extract_strided_slice %get3A_1 {offsets = [0, 4224], sizes = [32, 128], strides = [1, 1]} : vector<32x8192xf32> to vector<32x128xf32>
    %slice3A_60 = vector.extract_strided_slice %get3A_1 {offsets = [0, 4352], sizes = [32, 128], strides = [1, 1]} : vector<32x8192xf32> to vector<32x128xf32>
    %slice3A_61 = vector.extract_strided_slice %get3A_1 {offsets = [0, 4480], sizes = [32, 128], strides = [1, 1]} : vector<32x8192xf32> to vector<32x128xf32>
    %concatenate3A_62 = tpu.concatenate %slice3A_58, %slice3A_59, %slice3A_60, %slice3A_61 in 0 : vector<32x128xf32>, vector<32x128xf32>, vector<32x128xf32>, vector<32x128xf32> -> vector<128x128xf32>
    %dot_general3A_63 = arith.constant dense<0.000000e+00> : vector<128x128xf32>
    %dot_general3A_64 = tpu.matmul %concatenate3A_62, %get3A_4, %dot_general3A_63 {dimension_numbers = #tpu.dot_dimension_numbers<[0], [0], [1], [1], [0, 1, 1, 1], [], []>, transpose_lhs_hint = false} : vector<128x128xf32>, vector<128x128xf32>, vector<128x128xf32> -> vector<128x128xf32>
    %slice3A_65 = vector.extract_strided_slice %get3A_1 {offsets = [0, 4608], sizes = [32, 128], strides = [1, 1]} : vector<32x8192xf32> to vector<32x128xf32>
    %slice3A_66 = vector.extract_strided_slice %get3A_1 {offsets = [0, 4736], sizes = [32, 128], strides = [1, 1]} : vector<32x8192xf32> to vector<32x128xf32>
    %slice3A_67 = vector.extract_strided_slice %get3A_1 {offsets = [0, 4864], sizes = [32, 128], strides = [1, 1]} : vector<32x8192xf32> to vector<32x128xf32>
    %slice3A_68 = vector.extract_strided_slice %get3A_1 {offsets = [0, 4992], sizes = [32, 128], strides = [1, 1]} : vector<32x8192xf32> to vector<32x128xf32>
    %concatenate3A_69 = tpu.concatenate %slice3A_65, %slice3A_66, %slice3A_67, %slice3A_68 in 0 : vector<32x128xf32>, vector<32x128xf32>, vector<32x128xf32>, vector<32x128xf32> -> vector<128x128xf32>
    %dot_general3A_70 = arith.constant dense<0.000000e+00> : vector<128x128xf32>
    %dot_general3A_71 = tpu.matmul %concatenate3A_69, %get3A_4, %dot_general3A_70 {dimension_numbers = #tpu.dot_dimension_numbers<[0], [0], [1], [1], [0, 1, 1, 1], [], []>, transpose_lhs_hint = false} : vector<128x128xf32>, vector<128x128xf32>, vector<128x128xf32> -> vector<128x128xf32>
    %slice3A_72 = vector.extract_strided_slice %get3A_1 {offsets = [0, 5120], sizes = [32, 128], strides = [1, 1]} : vector<32x8192xf32> to vector<32x128xf32>
    %slice3A_73 = vector.extract_strided_slice %get3A_1 {offsets = [0, 5248], sizes = [32, 128], strides = [1, 1]} : vector<32x8192xf32> to vector<32x128xf32>
    %slice3A_74 = vector.extract_strided_slice %get3A_1 {offsets = [0, 5376], sizes = [32, 128], strides = [1, 1]} : vector<32x8192xf32> to vector<32x128xf32>
    %slice3A_75 = vector.extract_strided_slice %get3A_1 {offsets = [0, 5504], sizes = [32, 128], strides = [1, 1]} : vector<32x8192xf32> to vector<32x128xf32>
    %concatenate3A_76 = tpu.concatenate %slice3A_72, %slice3A_73, %slice3A_74, %slice3A_75 in 0 : vector<32x128xf32>, vector<32x128xf32>, vector<32x128xf32>, vector<32x128xf32> -> vector<128x128xf32>
    %dot_general3A_77 = arith.constant dense<0.000000e+00> : vector<128x128xf32>
    %dot_general3A_78 = tpu.matmul %concatenate3A_76, %get3A_4, %dot_general3A_77 {dimension_numbers = #tpu.dot_dimension_numbers<[0], [0], [1], [1], [0, 1, 1, 1], [], []>, transpose_lhs_hint = false} : vector<128x128xf32>, vector<128x128xf32>, vector<128x128xf32> -> vector<128x128xf32>
    %slice3A_79 = vector.extract_strided_slice %get3A_1 {offsets = [0, 5632], sizes = [32, 128], strides = [1, 1]} : vector<32x8192xf32> to vector<32x128xf32>
    %slice3A_80 = vector.extract_strided_slice %get3A_1 {offsets = [0, 5760], sizes = [32, 128], strides = [1, 1]} : vector<32x8192xf32> to vector<32x128xf32>
    %slice3A_81 = vector.extract_strided_slice %get3A_1 {offsets = [0, 5888], sizes = [32, 128], strides = [1, 1]} : vector<32x8192xf32> to vector<32x128xf32>
    %slice3A_82 = vector.extract_strided_slice %get3A_1 {offsets = [0, 6016], sizes = [32, 128], strides = [1, 1]} : vector<32x8192xf32> to vector<32x128xf32>
    %concatenate3A_83 = tpu.concatenate %slice3A_79, %slice3A_80, %slice3A_81, %slice3A_82 in 0 : vector<32x128xf32>, vector<32x128xf32>, vector<32x128xf32>, vector<32x128xf32> -> vector<128x128xf32>
    %dot_general3A_84 = arith.constant dense<0.000000e+00> : vector<128x128xf32>
    %dot_general3A_85 = tpu.matmul %concatenate3A_83, %get3A_4, %dot_general3A_84 {dimension_numbers = #tpu.dot_dimension_numbers<[0], [0], [1], [1], [0, 1, 1, 1], [], []>, transpose_lhs_hint = false} : vector<128x128xf32>, vector<128x128xf32>, vector<128x128xf32> -> vector<128x128xf32>
    %slice3A_86 = vector.extract_strided_slice %get3A_1 {offsets = [0, 6144], sizes = [32, 128], strides = [1, 1]} : vector<32x8192xf32> to vector<32x128xf32>
    %slice3A_87 = vector.extract_strided_slice %get3A_1 {offsets = [0, 6272], sizes = [32, 128], strides = [1, 1]} : vector<32x8192xf32> to vector<32x128xf32>
    %slice3A_88 = vector.extract_strided_slice %get3A_1 {offsets = [0, 6400], sizes = [32, 128], strides = [1, 1]} : vector<32x8192xf32> to vector<32x128xf32>
    %slice3A_89 = vector.extract_strided_slice %get3A_1 {offsets = [0, 6528], sizes = [32, 128], strides = [1, 1]} : vector<32x8192xf32> to vector<32x128xf32>
    %concatenate3A_90 = tpu.concatenate %slice3A_86, %slice3A_87, %slice3A_88, %slice3A_89 in 0 : vector<32x128xf32>, vector<32x128xf32>, vector<32x128xf32>, vector<32x128xf32> -> vector<128x128xf32>
    %dot_general3A_91 = arith.constant dense<0.000000e+00> : vector<128x128xf32>
    %dot_general3A_92 = tpu.matmul %concatenate3A_90, %get3A_4, %dot_general3A_91 {dimension_numbers = #tpu.dot_dimension_numbers<[0], [0], [1], [1], [0, 1, 1, 1], [], []>, transpose_lhs_hint = false} : vector<128x128xf32>, vector<128x128xf32>, vector<128x128xf32> -> vector<128x128xf32>
    %slice3A_93 = vector.extract_strided_slice %get3A_1 {offsets = [0, 6656], sizes = [32, 128], strides = [1, 1]} : vector<32x8192xf32> to vector<32x128xf32>
    %slice3A_94 = vector.extract_strided_slice %get3A_1 {offsets = [0, 6784], sizes = [32, 128], strides = [1, 1]} : vector<32x8192xf32> to vector<32x128xf32>
    %slice3A_95 = vector.extract_strided_slice %get3A_1 {offsets = [0, 6912], sizes = [32, 128], strides = [1, 1]} : vector<32x8192xf32> to vector<32x128xf32>
    %slice3A_96 = vector.extract_strided_slice %get3A_1 {offsets = [0, 7040], sizes = [32, 128], strides = [1, 1]} : vector<32x8192xf32> to vector<32x128xf32>
    %concatenate3A_97 = tpu.concatenate %slice3A_93, %slice3A_94, %slice3A_95, %slice3A_96 in 0 : vector<32x128xf32>, vector<32x128xf32>, vector<32x128xf32>, vector<32x128xf32> -> vector<128x128xf32>
    %dot_general3A_98 = arith.constant dense<0.000000e+00> : vector<128x128xf32>
    %dot_general3A_99 = tpu.matmul %concatenate3A_97, %get3A_4, %dot_general3A_98 {dimension_numbers = #tpu.dot_dimension_numbers<[0], [0], [1], [1], [0, 1, 1, 1], [], []>, transpose_lhs_hint = false} : vector<128x128xf32>, vector<128x128xf32>, vector<128x128xf32> -> vector<128x128xf32>
    %slice3A_100 = vector.extract_strided_slice %get3A_1 {offsets = [0, 7168], sizes = [32, 128], strides = [1, 1]} : vector<32x8192xf32> to vector<32x128xf32>
    %slice3A_101 = vector.extract_strided_slice %get3A_1 {offsets = [0, 7296], sizes = [32, 128], strides = [1, 1]} : vector<32x8192xf32> to vector<32x128xf32>
    %slice3A_102 = vector.extract_strided_slice %get3A_1 {offsets = [0, 7424], sizes = [32, 128], strides = [1, 1]} : vector<32x8192xf32> to vector<32x128xf32>
    %slice3A_103 = vector.extract_strided_slice %get3A_1 {offsets = [0, 7552], sizes = [32, 128], strides = [1, 1]} : vector<32x8192xf32> to vector<32x128xf32>
    %concatenate3A_104 = tpu.concatenate %slice3A_100, %slice3A_101, %slice3A_102, %slice3A_103 in 0 : vector<32x128xf32>, vector<32x128xf32>, vector<32x128xf32>, vector<32x128xf32> -> vector<128x128xf32>
    %dot_general3A_105 = arith.constant dense<0.000000e+00> : vector<128x128xf32>
    %dot_general3A_106 = tpu.matmul %concatenate3A_104, %get3A_4, %dot_general3A_105 {dimension_numbers = #tpu.dot_dimension_numbers<[0], [0], [1], [1], [0, 1, 1, 1], [], []>, transpose_lhs_hint = false} : vector<128x128xf32>, vector<128x128xf32>, vector<128x128xf32> -> vector<128x128xf32>
    %slice3A_107 = vector.extract_strided_slice %get3A_1 {offsets = [0, 7680], sizes = [32, 128], strides = [1, 1]} : vector<32x8192xf32> to vector<32x128xf32>
    %slice3A_108 = vector.extract_strided_slice %get3A_1 {offsets = [0, 7808], sizes = [32, 128], strides = [1, 1]} : vector<32x8192xf32> to vector<32x128xf32>
    %slice3A_109 = vector.extract_strided_slice %get3A_1 {offsets = [0, 7936], sizes = [32, 128], strides = [1, 1]} : vector<32x8192xf32> to vector<32x128xf32>
    %slice3A_110 = vector.extract_strided_slice %get3A_1 {offsets = [0, 8064], sizes = [32, 128], strides = [1, 1]} : vector<32x8192xf32> to vector<32x128xf32>
    %concatenate3A_111 = tpu.concatenate %slice3A_107, %slice3A_108, %slice3A_109, %slice3A_110 in 0 : vector<32x128xf32>, vector<32x128xf32>, vector<32x128xf32>, vector<32x128xf32> -> vector<128x128xf32>
    %dot_general3A_112 = arith.constant dense<0.000000e+00> : vector<128x128xf32>
    %dot_general3A_113 = tpu.matmul %concatenate3A_111, %get3A_4, %dot_general3A_112 {dimension_numbers = #tpu.dot_dimension_numbers<[0], [0], [1], [1], [0, 1, 1, 1], [], []>, transpose_lhs_hint = false} : vector<128x128xf32>, vector<128x128xf32>, vector<128x128xf32> -> vector<128x128xf32>
    %concatenate3A_114 = tpu.concatenate %dot_general3A_8, %dot_general3A_15, %dot_general3A_22, %dot_general3A_29, %dot_general3A_36, %dot_general3A_43, %dot_general3A_50, %dot_general3A_57, %dot_general3A_64, %dot_general3A_71, %dot_general3A_78, %dot_general3A_85, %dot_general3A_92, %dot_general3A_99, %dot_general3A_106, %dot_general3A_113 in 0 : vector<128x128xf32>, vector<128x128xf32>, vector<128x128xf32>, vector<128x128xf32>, vector<128x128xf32>, vector<128x128xf32>, vector<128x128xf32>, vector<128x128xf32>, vector<128x128xf32>, vector<128x128xf32>, vector<128x128xf32>, vector<128x128xf32>, vector<128x128xf32>, vector<128x128xf32>, vector<128x128xf32>, vector<128x128xf32> -> vector<2048x128xf32>
    %swap3A = arith.constant 0 : index
    %swap3A_115 = arith.constant 0 : index
    %swap3A_116 = vector.load %arg3[%swap3A, %swap3A_115] : memref<2048x128xf32, #tpu.memory_space<vmem>>, vector<2048x128xf32>
    tpu.vector_store %arg3[%swap3A, %swap3A_115], %concatenate3A_114 {strides = array<i32>} : memref<2048x128xf32, #tpu.memory_space<vmem>>, vector<2048x128xf32>,
    return
  }
  func.func @transform_0(%arg0: i32) -> (i32, i32) {
    %c0_i32 = arith.constant 0 : i32
    %c0_i32_0 = arith.constant 0 : i32
    return %c0_i32, %arg0 : i32, i32
  }
  func.func @transform_1(%arg0: i32) -> (i32, i32) {
    %c0_i32 = arith.constant 0 : i32
    %c0_i32_0 = arith.constant 0 : i32
    %c0_i32_1 = arith.constant 0 : i32
    return %c0_i32, %c0_i32_0 : i32, i32
  }
  func.func @transform_2(%arg0: i32) -> (i32, i32) {
    %c0_i32 = arith.constant 0 : i32
    %c0_i32_0 = arith.constant 0 : i32
    return %arg0, %c0_i32 : i32, i32
  }
}

module attributes {stable_mosaic.version = 14 : i64} {
  func.func @_tc_body(%arg0: i32, %arg1: memref<2048x128xf32, #tpu.memory_space<vmem>>, %arg2: memref<2048x128xf32, #tpu.memory_space<vmem>>, %arg3: memref<2048x128xf32, #tpu.memory_space<vmem>>, %arg4: memref<2048x128xf32, #tpu.memory_space<vmem>>, %arg5: memref<2048x1xi32, #tpu.memory_space<vmem>>, %arg6: memref<2048x1xi32, #tpu.memory_space<vmem>>, %arg7: memref<2048x1xi32, #tpu.memory_space<vmem>>, %arg8: memref<2048x1xi32, #tpu.memory_space<vmem>>, %arg9: memref<2048x1xi32, #tpu.memory_space<vmem>>, %arg10: memref<2048x1xi32, #tpu.memory_space<vmem>>, %arg11: memref<2048x1xi32, #tpu.memory_space<vmem>>, %arg12: memref<100x32xf32, #tpu.memory_space<vmem>>, %arg13: memref<10x32xf32, #tpu.memory_space<vmem>>, %arg14: memref<21x32xf32, #tpu.memory_space<vmem>>, %arg15: memref<64x32xf32, #tpu.memory_space<vmem>>, %arg16: memref<1x32xf32, #tpu.memory_space<vmem>>, %arg17: memref<96x32xf32, #tpu.memory_space<vmem>>, %arg18: memref<1x32xf32, #tpu.memory_space<vmem>>, %arg19: memref<2048x1xf32, #tpu.memory_space<vmem>>) attributes {dimension_semantics = [#tpu.dimension_semantics<parallel>], iteration_bounds = array<i64: 8>, scalar_prefetch = 0 : i64, scratch_operands = 0 : i64, tpu.core_type = #tpu.core_type<tc>, window_params = [{transform_indices = @transform_0, window_bounds = array<i64: 2048, 128>}, {transform_indices = @transform_1, window_bounds = array<i64: 2048, 128>}, {transform_indices = @transform_2, window_bounds = array<i64: 2048, 128>}, {transform_indices = @transform_3, window_bounds = array<i64: 2048, 128>}, {transform_indices = @transform_4, window_bounds = array<i64: 2048, 1>}, {transform_indices = @transform_5, window_bounds = array<i64: 2048, 1>}, {transform_indices = @transform_6, window_bounds = array<i64: 2048, 1>}, {transform_indices = @transform_7, window_bounds = array<i64: 2048, 1>}, {transform_indices = @transform_8, window_bounds = array<i64: 2048, 1>}, {transform_indices = @transform_9, window_bounds = array<i64: 2048, 1>}, {transform_indices = @transform_10, window_bounds = array<i64: 2048, 1>}, {pipeline_mode = #tpu.pipeline_mode<synchronous>, transform_indices = @transform_11, window_bounds = array<i64: 100, 32>}, {pipeline_mode = #tpu.pipeline_mode<synchronous>, transform_indices = @transform_12, window_bounds = array<i64: 10, 32>}, {pipeline_mode = #tpu.pipeline_mode<synchronous>, transform_indices = @transform_13, window_bounds = array<i64: 21, 32>}, {pipeline_mode = #tpu.pipeline_mode<synchronous>, transform_indices = @transform_14, window_bounds = array<i64: 64, 32>}, {pipeline_mode = #tpu.pipeline_mode<synchronous>, transform_indices = @transform_15, window_bounds = array<i64: 1, 32>}, {pipeline_mode = #tpu.pipeline_mode<synchronous>, transform_indices = @transform_16, window_bounds = array<i64: 96, 32>}, {pipeline_mode = #tpu.pipeline_mode<synchronous>, transform_indices = @transform_17, window_bounds = array<i64: 1, 32>}, {transform_indices = @transform_18, window_bounds = array<i64: 2048, 1>}]} {
    %get3A = arith.constant 0 : index
    %get3A_0 = arith.constant 0 : index
    %get3A_1 = vector.load %arg15[%get3A, %get3A_0] : memref<64x32xf32, #tpu.memory_space<vmem>>, vector<64x32xf32>
    %get3A_2 = arith.constant 0 : index
    %get3A_3 = arith.constant 0 : index
    %get3A_4 = vector.load %arg17[%get3A_2, %get3A_3] : memref<96x32xf32, #tpu.memory_space<vmem>>, vector<96x32xf32>
    %get3A_5 = arith.constant 0 : index
    %get3A_6 = arith.constant 0 : index
    %get3A_7 = vector.load %arg1[%get3A_5, %get3A_6] : memref<2048x128xf32, #tpu.memory_space<vmem>>, vector<2048x128xf32>
    %get3A_8 = arith.constant 0 : index
    %get3A_9 = arith.constant 0 : index
    %get3A_10 = vector.load %arg5[%get3A_8, %get3A_9] : memref<2048x1xi32, #tpu.memory_space<vmem>>, vector<2048x1xi32>
    %broadcast_in_dim3A = arith.constant 0.000000e+00 : f32
    %broadcast_in_dim3A_11 = vector.broadcast %broadcast_in_dim3A : f32 to vector<2048x32xf32>
    %eq3A = arith.constant 0 : i32
    %eq3A_12 = vector.broadcast %eq3A : i32 to vector<2048x1xi32>
    %eq3A_13 = arith.cmpi eq, %get3A_10, %eq3A_12 : vector<2048x1xi32>
    %slice3A = vector.extract_strided_slice %get3A_7 {offsets = [0, 0], sizes = [2048, 32], strides = [1, 1]} : vector<2048x128xf32> to vector<2048x32xf32>
    %jit3A = arith.constant 0.000000e+00 : f32
    %broadcast_in_dim3A_14 = vector.shape_cast %eq3A_13 : vector<2048x1xi1> to vector<2048x1xi1>
    %broadcast_in_dim3A_15 = vector.broadcast %broadcast_in_dim3A_14 : vector<2048x1xi1> to vector<2048x32xi1>
    %broadcast_in_dim3A_16 = vector.broadcast %jit3A : f32 to vector<2048x32xf32>
    %select_n3A = arith.select %broadcast_in_dim3A_15, %slice3A, %broadcast_in_dim3A_16 : vector<2048x32xi1>, vector<2048x32xf32>
    %add3A = arith.addf %broadcast_in_dim3A_11, %select_n3A : vector<2048x32xf32>
    %eq3A_17 = arith.constant 1 : i32
    %eq3A_18 = vector.broadcast %eq3A_17 : i32 to vector<2048x1xi32>
    %eq3A_19 = arith.cmpi eq, %get3A_10, %eq3A_18 : vector<2048x1xi32>
    %slice3A_20 = vector.extract_strided_slice %get3A_7 {offsets = [0, 32], sizes = [2048, 32], strides = [1, 1]} : vector<2048x128xf32> to vector<2048x32xf32>
    %jit3A_21 = arith.constant 0.000000e+00 : f32
    %broadcast_in_dim3A_22 = vector.shape_cast %eq3A_19 : vector<2048x1xi1> to vector<2048x1xi1>
    %broadcast_in_dim3A_23 = vector.broadcast %broadcast_in_dim3A_22 : vector<2048x1xi1> to vector<2048x32xi1>
    %broadcast_in_dim3A_24 = vector.broadcast %jit3A_21 : f32 to vector<2048x32xf32>
    %select_n3A_25 = arith.select %broadcast_in_dim3A_23, %slice3A_20, %broadcast_in_dim3A_24 : vector<2048x32xi1>, vector<2048x32xf32>
    %add3A_26 = arith.addf %add3A, %select_n3A_25 : vector<2048x32xf32>
    %eq3A_27 = arith.constant 2 : i32
    %eq3A_28 = vector.broadcast %eq3A_27 : i32 to vector<2048x1xi32>
    %eq3A_29 = arith.cmpi eq, %get3A_10, %eq3A_28 : vector<2048x1xi32>
    %slice3A_30 = vector.extract_strided_slice %get3A_7 {offsets = [0, 64], sizes = [2048, 32], strides = [1, 1]} : vector<2048x128xf32> to vector<2048x32xf32>
    %jit3A_31 = arith.constant 0.000000e+00 : f32
    %broadcast_in_dim3A_32 = vector.shape_cast %eq3A_29 : vector<2048x1xi1> to vector<2048x1xi1>
    %broadcast_in_dim3A_33 = vector.broadcast %broadcast_in_dim3A_32 : vector<2048x1xi1> to vector<2048x32xi1>
    %broadcast_in_dim3A_34 = vector.broadcast %jit3A_31 : f32 to vector<2048x32xf32>
    %select_n3A_35 = arith.select %broadcast_in_dim3A_33, %slice3A_30, %broadcast_in_dim3A_34 : vector<2048x32xi1>, vector<2048x32xf32>
    %add3A_36 = arith.addf %add3A_26, %select_n3A_35 : vector<2048x32xf32>
    %eq3A_37 = arith.constant 3 : i32
    %eq3A_38 = vector.broadcast %eq3A_37 : i32 to vector<2048x1xi32>
    %eq3A_39 = arith.cmpi eq, %get3A_10, %eq3A_38 : vector<2048x1xi32>
    %slice3A_40 = vector.extract_strided_slice %get3A_7 {offsets = [0, 96], sizes = [2048, 32], strides = [1, 1]} : vector<2048x128xf32> to vector<2048x32xf32>
    %jit3A_41 = arith.constant 0.000000e+00 : f32
    %broadcast_in_dim3A_42 = vector.shape_cast %eq3A_39 : vector<2048x1xi1> to vector<2048x1xi1>
    %broadcast_in_dim3A_43 = vector.broadcast %broadcast_in_dim3A_42 : vector<2048x1xi1> to vector<2048x32xi1>
    %broadcast_in_dim3A_44 = vector.broadcast %jit3A_41 : f32 to vector<2048x32xf32>
    %select_n3A_45 = arith.select %broadcast_in_dim3A_43, %slice3A_40, %broadcast_in_dim3A_44 : vector<2048x32xi1>, vector<2048x32xf32>
    %add3A_46 = arith.addf %add3A_36, %select_n3A_45 : vector<2048x32xf32>
    %get3A_47 = arith.constant 0 : index
    %get3A_48 = arith.constant 0 : index
    %get3A_49 = vector.load %arg2[%get3A_47, %get3A_48] : memref<2048x128xf32, #tpu.memory_space<vmem>>, vector<2048x128xf32>
    %get3A_50 = arith.constant 0 : index
    %get3A_51 = arith.constant 0 : index
    %get3A_52 = vector.load %arg6[%get3A_50, %get3A_51] : memref<2048x1xi32, #tpu.memory_space<vmem>>, vector<2048x1xi32>
    %broadcast_in_dim3A_53 = arith.constant 0.000000e+00 : f32
    %broadcast_in_dim3A_54 = vector.broadcast %broadcast_in_dim3A_53 : f32 to vector<2048x32xf32>
    %eq3A_55 = arith.constant 0 : i32
    %eq3A_56 = vector.broadcast %eq3A_55 : i32 to vector<2048x1xi32>
    %eq3A_57 = arith.cmpi eq, %get3A_52, %eq3A_56 : vector<2048x1xi32>
    %slice3A_58 = vector.extract_strided_slice %get3A_49 {offsets = [0, 0], sizes = [2048, 32], strides = [1, 1]} : vector<2048x128xf32> to vector<2048x32xf32>
    %jit3A_59 = arith.constant 0.000000e+00 : f32
    %broadcast_in_dim3A_60 = vector.shape_cast %eq3A_57 : vector<2048x1xi1> to vector<2048x1xi1>
    %broadcast_in_dim3A_61 = vector.broadcast %broadcast_in_dim3A_60 : vector<2048x1xi1> to vector<2048x32xi1>
    %broadcast_in_dim3A_62 = vector.broadcast %jit3A_59 : f32 to vector<2048x32xf32>
    %select_n3A_63 = arith.select %broadcast_in_dim3A_61, %slice3A_58, %broadcast_in_dim3A_62 : vector<2048x32xi1>, vector<2048x32xf32>
    %add3A_64 = arith.addf %broadcast_in_dim3A_54, %select_n3A_63 : vector<2048x32xf32>
    %eq3A_65 = arith.constant 1 : i32
    %eq3A_66 = vector.broadcast %eq3A_65 : i32 to vector<2048x1xi32>
    %eq3A_67 = arith.cmpi eq, %get3A_52, %eq3A_66 : vector<2048x1xi32>
    %slice3A_68 = vector.extract_strided_slice %get3A_49 {offsets = [0, 32], sizes = [2048, 32], strides = [1, 1]} : vector<2048x128xf32> to vector<2048x32xf32>
    %jit3A_69 = arith.constant 0.000000e+00 : f32
    %broadcast_in_dim3A_70 = vector.shape_cast %eq3A_67 : vector<2048x1xi1> to vector<2048x1xi1>
    %broadcast_in_dim3A_71 = vector.broadcast %broadcast_in_dim3A_70 : vector<2048x1xi1> to vector<2048x32xi1>
    %broadcast_in_dim3A_72 = vector.broadcast %jit3A_69 : f32 to vector<2048x32xf32>
    %select_n3A_73 = arith.select %broadcast_in_dim3A_71, %slice3A_68, %broadcast_in_dim3A_72 : vector<2048x32xi1>, vector<2048x32xf32>
    %add3A_74 = arith.addf %add3A_64, %select_n3A_73 : vector<2048x32xf32>
    %eq3A_75 = arith.constant 2 : i32
    %eq3A_76 = vector.broadcast %eq3A_75 : i32 to vector<2048x1xi32>
    %eq3A_77 = arith.cmpi eq, %get3A_52, %eq3A_76 : vector<2048x1xi32>
    %slice3A_78 = vector.extract_strided_slice %get3A_49 {offsets = [0, 64], sizes = [2048, 32], strides = [1, 1]} : vector<2048x128xf32> to vector<2048x32xf32>
    %jit3A_79 = arith.constant 0.000000e+00 : f32
    %broadcast_in_dim3A_80 = vector.shape_cast %eq3A_77 : vector<2048x1xi1> to vector<2048x1xi1>
    %broadcast_in_dim3A_81 = vector.broadcast %broadcast_in_dim3A_80 : vector<2048x1xi1> to vector<2048x32xi1>
    %broadcast_in_dim3A_82 = vector.broadcast %jit3A_79 : f32 to vector<2048x32xf32>
    %select_n3A_83 = arith.select %broadcast_in_dim3A_81, %slice3A_78, %broadcast_in_dim3A_82 : vector<2048x32xi1>, vector<2048x32xf32>
    %add3A_84 = arith.addf %add3A_74, %select_n3A_83 : vector<2048x32xf32>
    %eq3A_85 = arith.constant 3 : i32
    %eq3A_86 = vector.broadcast %eq3A_85 : i32 to vector<2048x1xi32>
    %eq3A_87 = arith.cmpi eq, %get3A_52, %eq3A_86 : vector<2048x1xi32>
    %slice3A_88 = vector.extract_strided_slice %get3A_49 {offsets = [0, 96], sizes = [2048, 32], strides = [1, 1]} : vector<2048x128xf32> to vector<2048x32xf32>
    %jit3A_89 = arith.constant 0.000000e+00 : f32
    %broadcast_in_dim3A_90 = vector.shape_cast %eq3A_87 : vector<2048x1xi1> to vector<2048x1xi1>
    %broadcast_in_dim3A_91 = vector.broadcast %broadcast_in_dim3A_90 : vector<2048x1xi1> to vector<2048x32xi1>
    %broadcast_in_dim3A_92 = vector.broadcast %jit3A_89 : f32 to vector<2048x32xf32>
    %select_n3A_93 = arith.select %broadcast_in_dim3A_91, %slice3A_88, %broadcast_in_dim3A_92 : vector<2048x32xi1>, vector<2048x32xf32>
    %add3A_94 = arith.addf %add3A_84, %select_n3A_93 : vector<2048x32xf32>
    %get3A_95 = arith.constant 0 : index
    %get3A_96 = arith.constant 0 : index
    %get3A_97 = vector.load %arg3[%get3A_95, %get3A_96] : memref<2048x128xf32, #tpu.memory_space<vmem>>, vector<2048x128xf32>
    %get3A_98 = arith.constant 0 : index
    %get3A_99 = arith.constant 0 : index
    %get3A_100 = vector.load %arg7[%get3A_98, %get3A_99] : memref<2048x1xi32, #tpu.memory_space<vmem>>, vector<2048x1xi32>
    %iota3A = tpu.iota {dimensions = array<i32: 1>} : vector<2048x128xi32>
    %eq3A_101 = vector.broadcast %get3A_100 : vector<2048x1xi32> to vector<2048x128xi32>
    %eq3A_102 = arith.cmpi eq, %iota3A, %eq3A_101 : vector<2048x128xi32>
    %jit3A_103 = arith.constant 0.000000e+00 : f32
    %broadcast_in_dim3A_104 = vector.broadcast %jit3A_103 : f32 to vector<2048x128xf32>
    %select_n3A_105 = arith.select %eq3A_102, %get3A_97, %broadcast_in_dim3A_104 : vector<2048x128xi1>, vector<2048x128xf32>
    %reduce_sum3A = arith.constant dense<0.000000e+00> : vector<2048xf32>
    %reduce_sum3A_106 = vector.multi_reduction <add>, %select_n3A_105, %reduce_sum3A [1] : vector<2048x128xf32> to vector<2048xf32>
    %broadcast_in_dim3A_107 = vector.shape_cast %reduce_sum3A_106 : vector<2048xf32> to vector<2048x1xf32>
    %get3A_108 = arith.constant 0 : index
    %get3A_109 = arith.constant 0 : index
    %get3A_110 = vector.load %arg4[%get3A_108, %get3A_109] : memref<2048x128xf32, #tpu.memory_space<vmem>>, vector<2048x128xf32>
    %get3A_111 = arith.constant 0 : index
    %get3A_112 = arith.constant 0 : index
    %get3A_113 = vector.load %arg8[%get3A_111, %get3A_112] : memref<2048x1xi32, #tpu.memory_space<vmem>>, vector<2048x1xi32>
    %iota3A_114 = tpu.iota {dimensions = array<i32: 1>} : vector<2048x128xi32>
    %eq3A_115 = vector.broadcast %get3A_113 : vector<2048x1xi32> to vector<2048x128xi32>
    %eq3A_116 = arith.cmpi eq, %iota3A_114, %eq3A_115 : vector<2048x128xi32>
    %jit3A_117 = arith.constant 0.000000e+00 : f32
    %broadcast_in_dim3A_118 = vector.broadcast %jit3A_117 : f32 to vector<2048x128xf32>
    %select_n3A_119 = arith.select %eq3A_116, %get3A_110, %broadcast_in_dim3A_118 : vector<2048x128xi1>, vector<2048x128xf32>
    %reduce_sum3A_120 = arith.constant dense<0.000000e+00> : vector<2048xf32>
    %reduce_sum3A_121 = vector.multi_reduction <add>, %select_n3A_119, %reduce_sum3A_120 [1] : vector<2048x128xf32> to vector<2048xf32>
    %broadcast_in_dim3A_122 = vector.shape_cast %reduce_sum3A_121 : vector<2048xf32> to vector<2048x1xf32>
    %get3A_123 = arith.constant 0 : index
    %get3A_124 = arith.constant 0 : index
    %get3A_125 = vector.load %arg12[%get3A_123, %get3A_124] : memref<100x32xf32, #tpu.memory_space<vmem>>, vector<100x32xf32>
    %slice3A_126 = vector.extract_strided_slice %get3A_1 {offsets = [32, 0], sizes = [32, 32], strides = [1, 1]} : vector<64x32xf32> to vector<32x32xf32>
    %dot_general3A = arith.constant dense<0.000000e+00> : vector<100x32xf32>
    %dot_general3A_127 = tpu.matmul %get3A_125, %slice3A_126, %dot_general3A {dimension_numbers = #tpu.dot_dimension_numbers<[1], [0], [0], [1], [0, 0, 1, 1], [], []>, transpose_lhs_hint = false} : vector<100x32xf32>, vector<32x32xf32>, vector<100x32xf32> -> vector<100x32xf32>
    %get3A_128 = arith.constant 0 : index
    %get3A_129 = arith.constant 0 : index
    %get3A_130 = vector.load %arg13[%get3A_128, %get3A_129] : memref<10x32xf32, #tpu.memory_space<vmem>>, vector<10x32xf32>
    %slice3A_131 = vector.extract_strided_slice %get3A_4 {offsets = [32, 0], sizes = [32, 32], strides = [1, 1]} : vector<96x32xf32> to vector<32x32xf32>
    %dot_general3A_132 = arith.constant dense<0.000000e+00> : vector<10x32xf32>
    %dot_general3A_133 = tpu.matmul %get3A_130, %slice3A_131, %dot_general3A_132 {dimension_numbers = #tpu.dot_dimension_numbers<[1], [0], [0], [1], [0, 0, 1, 1], [], []>, transpose_lhs_hint = false} : vector<10x32xf32>, vector<32x32xf32>, vector<10x32xf32> -> vector<10x32xf32>
    %get3A_134 = arith.constant 0 : index
    %get3A_135 = arith.constant 0 : index
    %get3A_136 = vector.load %arg14[%get3A_134, %get3A_135] : memref<21x32xf32, #tpu.memory_space<vmem>>, vector<21x32xf32>
    %slice3A_137 = vector.extract_strided_slice %get3A_4 {offsets = [64, 0], sizes = [32, 32], strides = [1, 1]} : vector<96x32xf32> to vector<32x32xf32>
    %dot_general3A_138 = arith.constant dense<0.000000e+00> : vector<21x32xf32>
    %dot_general3A_139 = tpu.matmul %get3A_136, %slice3A_137, %dot_general3A_138 {dimension_numbers = #tpu.dot_dimension_numbers<[1], [0], [0], [1], [0, 0, 1, 1], [], []>, transpose_lhs_hint = false} : vector<21x32xf32>, vector<32x32xf32>, vector<21x32xf32> -> vector<21x32xf32>
    %get3A_140 = arith.constant 0 : index
    %get3A_141 = arith.constant 0 : index
    %get3A_142 = vector.load %arg9[%get3A_140, %get3A_141] : memref<2048x1xi32, #tpu.memory_space<vmem>>, vector<2048x1xi32>
    %iota3A_143 = tpu.iota {dimensions = array<i32: 1>} : vector<2048x100xi32>
    %eq3A_144 = vector.broadcast %get3A_142 : vector<2048x1xi32> to vector<2048x100xi32>
    %eq3A_145 = arith.cmpi eq, %iota3A_143, %eq3A_144 : vector<2048x100xi32>
    %jit3A_146 = arith.constant 1.000000e+00 : f32
    %jit3A_147 = arith.constant 0.000000e+00 : f32
    %broadcast_in_dim3A_148 = vector.broadcast %jit3A_146 : f32 to vector<2048x100xf32>
    %broadcast_in_dim3A_149 = vector.broadcast %jit3A_147 : f32 to vector<2048x100xf32>
    %select_n3A_150 = arith.select %eq3A_145, %broadcast_in_dim3A_148, %broadcast_in_dim3A_149 : vector<2048x100xi1>, vector<2048x100xf32>
    %dot_general3A_151 = arith.constant dense<0.000000e+00> : vector<2048x32xf32>
    %dot_general3A_152 = tpu.matmul %select_n3A_150, %dot_general3A_127, %dot_general3A_151 {dimension_numbers = #tpu.dot_dimension_numbers<[1], [0], [0], [1], [0, 0, 1, 1], [], []>, transpose_lhs_hint = false} : vector<2048x100xf32>, vector<100x32xf32>, vector<2048x32xf32> -> vector<2048x32xf32>
    %add3A_153 = arith.addf %add3A_46, %dot_general3A_152 : vector<2048x32xf32>
    %get3A_154 = arith.constant 0 : index
    %get3A_155 = arith.constant 0 : index
    %get3A_156 = vector.load %arg16[%get3A_154, %get3A_155] : memref<1x32xf32, #tpu.memory_space<vmem>>, vector<1x32xf32>
    %add3A_157 = vector.broadcast %get3A_156 : vector<1x32xf32> to vector<2048x32xf32>
    %add3A_158 = arith.addf %add3A_153, %add3A_157 : vector<2048x32xf32>
    %neg3A = arith.constant 0.000000e+00 : f32
    %neg3A_159 = vector.broadcast %neg3A : f32 to vector<2048x32xf32>
    %neg3A_160 = arith.subf %neg3A_159, %add3A_158 : vector<2048x32xf32>
    %exp3A = math.exp %neg3A_160 : vector<2048x32xf32>
    %add3A_161 = arith.constant 1.000000e+00 : f32
    %add3A_162 = vector.broadcast %add3A_161 : f32 to vector<2048x32xf32>
    %add3A_163 = arith.addf %add3A_162, %exp3A : vector<2048x32xf32>
    %div3A = arith.constant 1.000000e+00 : f32
    %div3A_164 = vector.broadcast %div3A : f32 to vector<2048x32xf32>
    %div3A_165 = arith.divf %div3A_164, %add3A_163 : vector<2048x32xf32>
    %get3A_166 = arith.constant 0 : index
    %get3A_167 = arith.constant 0 : index
    %get3A_168 = vector.load %arg10[%get3A_166, %get3A_167] : memref<2048x1xi32, #tpu.memory_space<vmem>>, vector<2048x1xi32>
    %iota3A_169 = tpu.iota {dimensions = array<i32: 1>} : vector<2048x10xi32>
    %eq3A_170 = vector.broadcast %get3A_168 : vector<2048x1xi32> to vector<2048x10xi32>
    %eq3A_171 = arith.cmpi eq, %iota3A_169, %eq3A_170 : vector<2048x10xi32>
    %jit3A_172 = arith.constant 1.000000e+00 : f32
    %jit3A_173 = arith.constant 0.000000e+00 : f32
    %broadcast_in_dim3A_174 = vector.broadcast %jit3A_172 : f32 to vector<2048x10xf32>
    %broadcast_in_dim3A_175 = vector.broadcast %jit3A_173 : f32 to vector<2048x10xf32>
    %select_n3A_176 = arith.select %eq3A_171, %broadcast_in_dim3A_174, %broadcast_in_dim3A_175 : vector<2048x10xi1>, vector<2048x10xf32>
    %dot_general3A_177 = arith.constant dense<0.000000e+00> : vector<2048x32xf32>
    %dot_general3A_178 = tpu.matmul %select_n3A_176, %dot_general3A_133, %dot_general3A_177 {dimension_numbers = #tpu.dot_dimension_numbers<[1], [0], [0], [1], [0, 0, 1, 1], [], []>, transpose_lhs_hint = false} : vector<2048x10xf32>, vector<10x32xf32>, vector<2048x32xf32> -> vector<2048x32xf32>
    %add3A_179 = arith.addf %add3A_94, %dot_general3A_178 : vector<2048x32xf32>
    %get3A_180 = arith.constant 0 : index
    %get3A_181 = arith.constant 0 : index
    %get3A_182 = vector.load %arg11[%get3A_180, %get3A_181] : memref<2048x1xi32, #tpu.memory_space<vmem>>, vector<2048x1xi32>
    %iota3A_183 = tpu.iota {dimensions = array<i32: 1>} : vector<2048x21xi32>
    %eq3A_184 = vector.broadcast %get3A_182 : vector<2048x1xi32> to vector<2048x21xi32>
    %eq3A_185 = arith.cmpi eq, %iota3A_183, %eq3A_184 : vector<2048x21xi32>
    %jit3A_186 = arith.constant 1.000000e+00 : f32
    %jit3A_187 = arith.constant 0.000000e+00 : f32
    %broadcast_in_dim3A_188 = vector.broadcast %jit3A_186 : f32 to vector<2048x21xf32>
    %broadcast_in_dim3A_189 = vector.broadcast %jit3A_187 : f32 to vector<2048x21xf32>
    %select_n3A_190 = arith.select %eq3A_185, %broadcast_in_dim3A_188, %broadcast_in_dim3A_189 : vector<2048x21xi1>, vector<2048x21xf32>
    %dot_general3A_191 = arith.constant dense<0.000000e+00> : vector<2048x32xf32>
    %dot_general3A_192 = tpu.matmul %select_n3A_190, %dot_general3A_139, %dot_general3A_191 {dimension_numbers = #tpu.dot_dimension_numbers<[1], [0], [0], [1], [0, 0, 1, 1], [], []>, transpose_lhs_hint = false} : vector<2048x21xf32>, vector<21x32xf32>, vector<2048x32xf32> -> vector<2048x32xf32>
    %add3A_193 = arith.addf %add3A_179, %dot_general3A_192 : vector<2048x32xf32>
    %get3A_194 = arith.constant 0 : index
    %get3A_195 = arith.constant 0 : index
    %get3A_196 = vector.load %arg18[%get3A_194, %get3A_195] : memref<1x32xf32, #tpu.memory_space<vmem>>, vector<1x32xf32>
    %add3A_197 = vector.broadcast %get3A_196 : vector<1x32xf32> to vector<2048x32xf32>
    %add3A_198 = arith.addf %add3A_193, %add3A_197 : vector<2048x32xf32>
    %neg3A_199 = arith.constant 0.000000e+00 : f32
    %neg3A_200 = vector.broadcast %neg3A_199 : f32 to vector<2048x32xf32>
    %neg3A_201 = arith.subf %neg3A_200, %add3A_198 : vector<2048x32xf32>
    %exp3A_202 = math.exp %neg3A_201 : vector<2048x32xf32>
    %add3A_203 = arith.constant 1.000000e+00 : f32
    %add3A_204 = vector.broadcast %add3A_203 : f32 to vector<2048x32xf32>
    %add3A_205 = arith.addf %add3A_204, %exp3A_202 : vector<2048x32xf32>
    %div3A_206 = arith.constant 1.000000e+00 : f32
    %div3A_207 = vector.broadcast %div3A_206 : f32 to vector<2048x32xf32>
    %div3A_208 = arith.divf %div3A_207, %add3A_205 : vector<2048x32xf32>
    %mul3A = arith.mulf %div3A_165, %div3A_208 : vector<2048x32xf32>
    %reduce_sum3A_209 = arith.constant dense<0.000000e+00> : vector<2048xf32>
    %reduce_sum3A_210 = vector.multi_reduction <add>, %mul3A, %reduce_sum3A_209 [1] : vector<2048x32xf32> to vector<2048xf32>
    %broadcast_in_dim3A_211 = vector.shape_cast %reduce_sum3A_210 : vector<2048xf32> to vector<2048x1xf32>
    %add3A_212 = arith.addf %broadcast_in_dim3A_211, %broadcast_in_dim3A_107 : vector<2048x1xf32>
    %add3A_213 = arith.addf %add3A_212, %broadcast_in_dim3A_122 : vector<2048x1xf32>
    %neg3A_214 = arith.constant 0.000000e+00 : f32
    %neg3A_215 = vector.broadcast %neg3A_214 : f32 to vector<2048x1xf32>
    %neg3A_216 = arith.subf %neg3A_215, %add3A_213 : vector<2048x1xf32>
    %exp3A_217 = math.exp %neg3A_216 : vector<2048x1xf32>
    %add3A_218 = arith.constant 1.000000e+00 : f32
    %add3A_219 = vector.broadcast %add3A_218 : f32 to vector<2048x1xf32>
    %add3A_220 = arith.addf %add3A_219, %exp3A_217 : vector<2048x1xf32>
    %div3A_221 = arith.constant 1.000000e+00 : f32
    %div3A_222 = vector.broadcast %div3A_221 : f32 to vector<2048x1xf32>
    %div3A_223 = arith.divf %div3A_222, %add3A_220 : vector<2048x1xf32>
    %swap3A = arith.constant 0 : index
    %swap3A_224 = arith.constant 0 : index
    %swap3A_225 = vector.load %arg19[%swap3A, %swap3A_224] : memref<2048x1xf32, #tpu.memory_space<vmem>>, vector<2048x1xf32>
    tpu.vector_store %arg19[%swap3A, %swap3A_224], %div3A_223 {strides = array<i32>} : memref<2048x1xf32, #tpu.memory_space<vmem>>, vector<2048x1xf32>,
    return
  }
  func.func @transform_0(%arg0: i32) -> (i32, i32) {
    %c0_i32 = arith.constant 0 : i32
    %c0_i32_0 = arith.constant 0 : i32
    return %arg0, %c0_i32 : i32, i32
  }
  func.func @transform_1(%arg0: i32) -> (i32, i32) {
    %c0_i32 = arith.constant 0 : i32
    %c0_i32_0 = arith.constant 0 : i32
    return %arg0, %c0_i32 : i32, i32
  }
  func.func @transform_2(%arg0: i32) -> (i32, i32) {
    %c0_i32 = arith.constant 0 : i32
    %c0_i32_0 = arith.constant 0 : i32
    return %arg0, %c0_i32 : i32, i32
  }
  func.func @transform_3(%arg0: i32) -> (i32, i32) {
    %c0_i32 = arith.constant 0 : i32
    %c0_i32_0 = arith.constant 0 : i32
    return %arg0, %c0_i32 : i32, i32
  }
  func.func @transform_4(%arg0: i32) -> (i32, i32) {
    %c0_i32 = arith.constant 0 : i32
    %c0_i32_0 = arith.constant 0 : i32
    return %arg0, %c0_i32 : i32, i32
  }
  func.func @transform_5(%arg0: i32) -> (i32, i32) {
    %c0_i32 = arith.constant 0 : i32
    %c0_i32_0 = arith.constant 0 : i32
    return %arg0, %c0_i32 : i32, i32
  }
  func.func @transform_6(%arg0: i32) -> (i32, i32) {
    %c0_i32 = arith.constant 0 : i32
    %c0_i32_0 = arith.constant 0 : i32
    return %arg0, %c0_i32 : i32, i32
  }
  func.func @transform_7(%arg0: i32) -> (i32, i32) {
    %c0_i32 = arith.constant 0 : i32
    %c0_i32_0 = arith.constant 0 : i32
    return %arg0, %c0_i32 : i32, i32
  }
  func.func @transform_8(%arg0: i32) -> (i32, i32) {
    %c0_i32 = arith.constant 0 : i32
    %c0_i32_0 = arith.constant 0 : i32
    return %arg0, %c0_i32 : i32, i32
  }
  func.func @transform_9(%arg0: i32) -> (i32, i32) {
    %c0_i32 = arith.constant 0 : i32
    %c0_i32_0 = arith.constant 0 : i32
    return %arg0, %c0_i32 : i32, i32
  }
  func.func @transform_10(%arg0: i32) -> (i32, i32) {
    %c0_i32 = arith.constant 0 : i32
    %c0_i32_0 = arith.constant 0 : i32
    return %arg0, %c0_i32 : i32, i32
  }
  func.func @transform_11(%arg0: i32) -> (i32, i32) {
    %c0_i32 = arith.constant 0 : i32
    %c0_i32_0 = arith.constant 0 : i32
    %c0_i32_1 = arith.constant 0 : i32
    return %c0_i32, %c0_i32_0 : i32, i32
  }
  func.func @transform_12(%arg0: i32) -> (i32, i32) {
    %c0_i32 = arith.constant 0 : i32
    %c0_i32_0 = arith.constant 0 : i32
    %c0_i32_1 = arith.constant 0 : i32
    return %c0_i32, %c0_i32_0 : i32, i32
  }
  func.func @transform_13(%arg0: i32) -> (i32, i32) {
    %c0_i32 = arith.constant 0 : i32
    %c0_i32_0 = arith.constant 0 : i32
    %c0_i32_1 = arith.constant 0 : i32
    return %c0_i32, %c0_i32_0 : i32, i32
  }
  func.func @transform_14(%arg0: i32) -> (i32, i32) {
    %c0_i32 = arith.constant 0 : i32
    %c0_i32_0 = arith.constant 0 : i32
    %c0_i32_1 = arith.constant 0 : i32
    return %c0_i32, %c0_i32_0 : i32, i32
  }
  func.func @transform_15(%arg0: i32) -> (i32, i32) {
    %c0_i32 = arith.constant 0 : i32
    %c0_i32_0 = arith.constant 0 : i32
    %c0_i32_1 = arith.constant 0 : i32
    return %c0_i32, %c0_i32_0 : i32, i32
  }
  func.func @transform_16(%arg0: i32) -> (i32, i32) {
    %c0_i32 = arith.constant 0 : i32
    %c0_i32_0 = arith.constant 0 : i32
    %c0_i32_1 = arith.constant 0 : i32
    return %c0_i32, %c0_i32_0 : i32, i32
  }
  func.func @transform_17(%arg0: i32) -> (i32, i32) {
    %c0_i32 = arith.constant 0 : i32
    %c0_i32_0 = arith.constant 0 : i32
    %c0_i32_1 = arith.constant 0 : i32
    return %c0_i32, %c0_i32_0 : i32, i32
  }
  func.func @transform_18(%arg0: i32) -> (i32, i32) {
    %c0_i32 = arith.constant 0 : i32
    %c0_i32_0 = arith.constant 0 : i32
    return %arg0, %c0_i32 : i32, i32
  }
}

</mosaic_0001>

<sc_bundles>
// kernel: kernel.6.cloned.1.call-start
scs
__scs_entry_jumppad:
0x0: {  	(pc) =	sbr.rel $0x88, $3  }
0x1: {  	(tag) =	ssettag $0x0;
	lr =	simm.s32 $0x1  }
0x2: {  	[smem:$0x3F95] =	sst lr;
	_ =	strace $0xD0000000  }
0x3: {  	_ = 	snop  }
0x4: {  	_ = 	snop  }
0x5: {  	_ = 	snop  }
0x6: {  	_ = 	snop  }
0x7: {  	_ = 	snop  }
__scs_overlays_trampoline_lowered:
0x8: {  	[smem:$0x3FA4] =	sst s0  }
0x9: {  	[smem:$0x3FA5] =	sst s1  }
0xa: {  	[smem:$0x3FA6] =	sst s2  }
0xb: {  	[smem:$0x3FA7] =	sst s3  }
0xc: {  	[smem:$0x3FA8] =	sst s4  }
0xd: {  	[smem:$0x3FA9] =	sst s5  }
0xe: {  	[smem:$0x3FAA] =	sst s6  }
0xf: {  	[smem:$0x3FAB] =	sst s7  }
0x10: {  	[smem:$0x3FAC] =	sst s8  }
0x11: {  	[smem:$0x3FAD] =	sst s9;
	s0 =	simm.s32 @!p0 $0x0  }
0x12: {  	s1 =	sld [smem:$0x3F93];
	s0 =	simm.s32 @p0 $0x1  }
0x13: {  	[smem:$0x3FAE] =	sst s0;
	s0 =	simm.s32 @!p1 $0x0  }
0x14: {  	s2 =	sld [smem:$0x3F92];
	s0 =	simm.s32 @p1 $0x1  }
0x15: {  	[smem:$0x3FAF] =	sst s0;
	s0 =	simm.s32 @!p2 $0x0  }
0x16: {  	s3 =	sld [smem:$0x3FDB];
	s0 =	simm.s32 @p2 $0x1  }
0x17: {  	s4 =	simm.s32 $0x1BF5;
	[smem:$0x3FB1] =	sst s0  }
0x18: {  	s0 =	sld [smem:$0x3F94];
	_ =	swait.ge [sflag:s4], $0x0  }
0x19: {  	s7 =	sld [smem:$0x3F95]  }
0x1a: {  	s8 =	sadd.s32 $0xFFFFE003, lr  }
0x1b: {  	s9 =	sadd.s32 $0xFFFFFEF7, lr;
	s5 =	simm.s32 $0xFFFFFFFF;
	p2 =	slt.u32 s8, $0xFFFFF086  }
0x1c: {  	p1 =	slt.u32 s9, $0xF7A;
	s5 =	simm.s32 @!p2 $0x0  }
0x1d: {  	s5 =	simm.s32 @p1 $0x1;
	p0 =	seq.s32 s7, s2  }
0x1e: {  	s7 =	smul.u32 @!p0 $0xF7A, s2;
	p2 =	seq.s32 @!p0 s5, $0x0  }
0x1f: {  	s9 =	smul.u32 $0xF7A, s1;
	s8 =	simm.s32 @!p0 $0x1BF5;
	p2 =	por !p2, p0  }
0x20: {  	[sflag:s8] =	ssyncset.s32 @!p0 $0xFFFFF086;
	s6 =	sadd.s32 @!p0 s3, s7;
	s7 =	simm.s32 @!p0 $0x108  }
0x21: {  	s3 =	sadd.s32 s3, s9;
	s6 =	sadd.s32 @!p0 $0x88, s6;
	s7 =	simm.s32 @p2 $0x1082  }
0x22: {  	[simem:s7], [sflag:s8] =	dma.local @!p0 [hbm:s6], $0xF7A  }
0x23: {  	s9 =	sor.u32 $0xD0000000, s2;
	s6 =	simm.s32 $0x108;
	_ =	swait.ge @!p0 [sflag:s8], $0x0  }
0x24: {  	s3 =	sadd.s32 $0x88, s3;
	s6 =	simm.s32 @!p1 $0x1082;
	[sflag:s4] =	ssyncset.s32 $0xFFFFF086  }
0x25: {  	[simem:s6], [sflag:s4] =	dma.local [hbm:s3], $0xF7A  }
0x26: {  	[smem:$0x3F95] =	sst s1;
	(tag) =	ssettag s2;
	_ =	strace s9  }
0x27: {  	s1 =	sld [smem:$0x3FA5]  }
0x28: {  	s2 =	sld [smem:$0x3FA6]  }
0x29: {  	s4 =	sld [smem:$0x3FA8]  }
0x2a: {  	p0 =	seq.s32 s5, $0x0;
	s5 =	sld [smem:$0x3FA9]  }
0x2b: {  	s6 =	sld [smem:$0x3FAA]  }
0x2c: {  	s7 =	sld [smem:$0x3FAB]  }
0x2d: {  	s3 =	simm.s32 $0x108;
	s8 =	sld [smem:$0x3FAC]  }
0x2e: {  	s3 =	simm.s32 @!p0 $0x1082;
	s9 =	sld [smem:$0x3FAD]  }
0x2f: {  	lr =	sadd.s32 s0, s3;
	s0 =	sld [smem:$0x3FA4]  }
0x30: {  	s3 =	sld [smem:$0x3FA7]  }
0x31: {  	[smem:$0x3FB0] =	sst s10  }
0x32: {  	s10 =	sld [smem:$0x3FAE];
	_ =	sdelay $0x3  }
0x33: {  	p0 =	seq.s32 s10, $0x1;
	s10 =	sld [smem:$0x3FB0];
	_ =	sdelay $0x3  }
0x34: {  	[smem:$0x3FB0] =	sst s10  }
0x35: {  	s10 =	sld [smem:$0x3FAF];
	_ =	sdelay $0x3  }
0x36: {  	p1 =	seq.s32 s10, $0x1;
	s10 =	sld [smem:$0x3FB0];
	_ =	sdelay $0x3  }
0x37: {  	[smem:$0x3FB0] =	sst s10  }
0x38: {  	s10 =	sld [smem:$0x3FB1]  }
0x39: {  	_ = 	snop;
	(pc) =	sbr.ind lr, $3  }
0x3a: {  	_ = 	snop  }
0x3b: {  	_ = 	snop  }
0x3c: {  	p2 =	seq.s32 s10, $0x1;
	s10 =	sld [smem:$0x3FB0]  }
0x3d: {  	_ =	shalt  }
0x3e: {  	_ =	shalt  }
0x3f: {  	_ =	shalt  }
0x40: {  	_ =	shalt  }
0x41: {  	_ =	shalt  }
0x42: {  	_ =	shalt  }
0x43: {  	_ =	shalt  }
0x44: {  	_ =	shalt  }
0x45: {  	_ =	shalt  }
0x46: {  	_ =	shalt  }
0x47: {  	_ =	shalt  }
0x48: {  	_ =	shalt  }
0x49: {  	_ =	shalt  }
0x4a: {  	_ =	shalt  }
0x4b: {  	_ =	shalt  }
0x4c: {  	_ =	shalt  }
0x4d: {  	_ =	shalt  }
0x4e: {  	_ =	shalt  }
0x4f: {  	_ =	shalt  }
0x50: {  	_ =	shalt  }
0x51: {  	_ =	shalt  }
0x52: {  	_ =	shalt  }
0x53: {  	_ =	shalt  }
0x54: {  	_ =	shalt  }
0x55: {  	_ =	shalt  }
0x56: {  	_ =	shalt  }
0x57: {  	_ =	shalt  }
0x58: {  	_ =	shalt  }
0x59: {  	_ =	shalt  }
0x5a: {  	_ =	shalt  }
0x5b: {  	_ =	shalt  }
0x5c: {  	_ =	shalt  }
0x5d: {  	_ =	shalt  }
0x5e: {  	_ =	shalt  }
0x5f: {  	_ =	shalt  }
0x60: {  	_ =	shalt  }
0x61: {  	_ =	shalt  }
0x62: {  	_ =	shalt  }
0x63: {  	_ =	shalt  }
0x64: {  	_ =	shalt  }
0x65: {  	_ =	shalt  }
0x66: {  	_ =	shalt  }
0x67: {  	_ =	shalt  }
0x68: {  	_ =	shalt  }
0x69: {  	_ =	shalt  }
0x6a: {  	_ =	shalt  }
0x6b: {  	_ =	shalt  }
0x6c: {  	_ =	shalt  }
0x6d: {  	_ =	shalt  }
0x6e: {  	_ =	shalt  }
0x6f: {  	_ =	shalt  }
0x70: {  	_ =	shalt  }
0x71: {  	_ =	shalt  }
0x72: {  	_ =	shalt  }
0x73: {  	_ =	shalt  }
0x74: {  	_ =	shalt  }
0x75: {  	_ =	shalt  }
0x76: {  	_ =	shalt  }
0x77: {  	_ =	shalt  }
0x78: {  	_ =	shalt  }
0x79: {  	_ =	shalt  }
0x7a: {  	_ =	shalt  }
0x7b: {  	_ =	shalt  }
0x7c: {  	_ =	shalt  }
0x7d: {  	_ =	shalt  }
0x7e: {  	_ =	shalt  }
0x7f: {  	_ =	shalt  }
0x80: {  	_ =	shalt  }
0x81: {  	_ =	shalt  }
0x82: {  	_ =	shalt  }
0x83: {  	_ =	shalt  }
0x84: {  	_ =	shalt  }
0x85: {  	_ =	shalt  }
0x86: {  	_ =	shalt  }
0x87: {  	_ =	shalt  }
.Lfunc_end0:
.L_simem_size_0:
called_computation_lowered:
.L_overlay_start_0:
0x88: {  	s2 =	sld [smem:$0x3FD9]  }
0x89: {  	s3 =	sld [smem:$0x3FFE];
	_ =	sdelay $0x1  }
0x8a: {  	s1 =	srdreg.scid  }
0x8b: {  	s0 =	sand.u32 $0x1, s1  }
0x8c: {  	s16 =	sshll.u32 s0, $0xA;
	s2 =	sadd.s32 s3, s2  }
0x8d: {  	s2 =	sadd.s32 s2, s16  }
0x8e: {  	[smem:$0x3FBC] =	sst s2  }
0x8f: {  	_ = 	snop  }
0x90: {  	(tm) =	ssettm $0x1  }
0x91: {  	s17 =	sld [smem:$0x3FFB];
	_ =	sdelay $0x3  }
0x92: {  	_ =	strace s17  }
0x93: {  	s2 =	sld [smem:$0x3FFC];
	_ =	sdelay $0x3  }
0x94: {  	_ =	strace s2  }
0x95: {  	s2 =	sld [smem:$0x3FFD];
	_ =	sdelay $0x3  }
0x96: {  	_ =	strace s2  }
0x97: {  	_ =	strace $0x8FFFFFFF  }
0x98: {  	s18 =	sld [smem:$0x3FDB];
	_ =	sdelay $0x1  }
0x99: {  	s19 =	simm.s32 $_scs_section_size  }
0x9a: {  	s4 =	simm.s32 $_size__tile_overlayer_lowered;
	s5 =	simm.s32 $_tile_overlayer_lowered  }
0x9b: {  	s22 =	simm.s32 $0x1BFF;
	s21 =	sshll.u32 s5, $0x1;
	s2 =	sadd.s32 s19, s18  }
0x9c: {  	s6 =	simm.s32 $0x0;
	s20 =	sshll.u32 s4, $0x1;
	s4 =	sadd.s32 s21, s2  }
0x9d: {  	[timem:s6], [sflag:s22] =	dma.local [hbm:s4], s20  }
0x9e: {  	_ =	swait.ge [sflag:s22], s20  }
0x9f: {  	s3 =	ssub.s32 $0x0, s20;
	[sflag:s22] =	ssyncset.done $0x0  }
0xa0: {  	[sflag:s22] =	ssyncadd.s32 s3;
	_ =	sdelay $0x1  }
0xa1: {  	s23 =	simm.s32 $0x1B8B  }
0xa2: {  	_ =	swait.ge [sflag:s23], $0x1  }
0xa3: {  	[sflag:s23] =	ssyncset.done $0x0  }
0xa4: {  	s25 =	simm.s32 $0x1B8E;
	s24 =	sld [smem:$0x3FFE];
	[sflag:s23] =	ssyncadd.s32 $0xFFFFFFFF  }
0xa5: {  	s26 =	simm.s32 $execute0_lowered;
	[smem:$0x3FD2] =	sst s25  }
0xa6: {  	s4 =	sshll.u32 s26, $0x1;
	_ =	strace $0x80000046;
	[dreg:$0x1] =	wrdreg $0xFFFFFFFF  }
0xa7: {  	s28 =	simm.s32 $_size_execute0_lowered;
	s2 =	sadd.s32 s2, s4;
	[dreg:$0x0] =	wrdreg $0x0  }
0xa8: {  	s4 =	sshll.u32 s28, $0x1;
	[dreg:$0x2] =	wrdreg s2  }
0xa9: {  	[dreg:$0x3] =	wrdreg s4  }
0xaa: {  	[dreg:$0x4] =	wrdreg $0xC0  }
0xab: {  	_ =	task [dreg:s6], $0x5FFFF  }
0xac: {  	[dreg:$0x1] =	wrdreg $0xFFFFFFFF  }
0xad: {  	[dreg:$0x0] =	wrdreg $0x60  }
0xae: {  	[dreg:$0x2] =	wrdreg s24  }
0xaf: {  	[dreg:$0x3] =	wrdreg $0x9  }
0xb0: {  	_ =	task.clear_ibuf [dreg:s6], $0x4FFFF;
	_ =	strace $0x90000046  }
0xb1: {  	s29 =	simm.s32 $0x9;
	_ =	strace $0x80000048  }
0xb2: {  	_ =	swait.ge [sflag:s29], $0x1  }
0xb3: {  	[sflag:s29] =	ssyncadd.s32 $0xFFFFFFFF  }
0xb4: {  	_ =	strace $0x90000048  }
0xb5: {  	_ =	sfence  }
0xb6: {  	s30 =	sld [smem:$0x0];
	_ =	sdelay $0x2  }
0xb7: {  	s31 =	sshll.u32 s1, $0xD;
	s1 =	sshrl.u32 s1, $0x2  }
0xb8: {  	s3 =	sand.u32 $0x4000, s31;
	s1 =	sadd.s32 s1, s30  }
0xb9: {  	s0 =	sor.u32 s3, s0;
	s1 =	sshll.u32 s1, $0x11  }
0xba: {  	s0 =	sor.u32 s1, s0  }
0xbb: {  	s0 =	sadd.s32 $0x8F2B, s0  }
0xbc: {  	[sflag:s0] =	ssyncadd.remote.s32 $0x1  }
0xbd: {  	_ =	sfence.sel $0xFFFF  }
0xbe: {  	[dreg:$0x0] =	wrdreg $0xFFFFFFFF;
	(pc) =	sbr.abs _section_cstart, $3  }
0xbf: {  	[dreg:$0x1] =	wrdreg $0xFFFFFFFF  }
0xc0: {  	_ =	task.clear_ibuf [dreg:s6], $0x2FFFF;
	_ =	strace $0x9FFFFFFF  }
0xc1: {  	(tm) =	ssettm $0x7FFFFFFF  }
tec
execute0_lowered:
.L_overlay_start_1:
0x0: {  	(tag) =	ssettag $0x1  }
0x1: {  	s0 =	srdreg.scid  }
0x2: {  	s9 =	rddreg [dreg:$0x0];
	s3 =	stileid.u32;
	s1 =	sand.u32 $0x1, s0  }
0x3: {  	s2 =	simm.s32 $0x0;
	s22 =	sshll.u32 s3, $0xA;
	s23 =	sshll.u32 s1, $0x9  }
0x4: {  	p0 =	por $0x0, $0x0;
	[smem:$0x7FF] =	sst s2;
	s11 =	sor.u32 s23, s22  }
0x5: {  	s0 =	sadd.s32 $0x28400, s9;
	s6 =	sadd.s32 $0x27C00, s9;
	s3 =	sshrl.u32 s11, $0x3  }
0x6: {  	s7 =	sadd.s32 $0x28C00, s9;
	s8 =	sadd.s32 $0x27400, s9;
	s4 =	sadd.s32 s0, s3  }
0x7: {  	_ =	strace $0x80000047;
	s24 =	sadd.s32 s6, s3;
	[dreg:$0x2] =	wrdreg s4  }
0x8: {  	s10 =	sadd.s32 $0x469400, s9;
	s25 =	sadd.s32 s7, s3;
	[dreg:$0x3] =	wrdreg s24  }
0x9: {  	s26 =	sshll.u32 s11, $0x4;
	s3 =	sadd.s32 s8, s3;
	[dreg:$0x4] =	wrdreg s25  }
0xa: {  	s12 =	sadd.s32 $0x4A9400, s9;
	s5 =	sadd.s32 s10, s26;
	[dreg:$0x5] =	wrdreg s3  }
0xb: {  	s13 =	sadd.s32 $0x4E9400, s9;
	s15 =	sadd.s32 s12, s26;
	[dreg:$0x6] =	wrdreg s5  }
0xc: {  	s14 =	sadd.s32 $0x529400, s9;
	s16 =	sadd.s32 s13, s26;
	[dreg:$0x7] =	wrdreg s15  }
0xd: {  	s1 =	ssub.s32 $0x2, s1;
	s17 =	sadd.s32 s14, s26;
	[dreg:$0x8] =	wrdreg s16  }
0xe: {  	s5 =	sor.u32 $0x80, s11;
	[dreg:$0x9] =	wrdreg s17;
	s3 =	sadd.s32 $0x29400, s9  }
0xf: {  	s4 =	sadd.s32 $0x401400, s9;
	s17 =	sor.u32 $0x100, s11;
	s11 =	sor.u32 $0x180, s11  }
0x10: {  	s15 =	sshrl.u32 s5, $0x3;
	s20 =	sshll.u32 s5, $0x4;
	s5 =	sadd.s32 $0x5800, s9  }
0x11: {  	s25 =	sshrl.u32 s17, $0x3;
	s9 =	sadd.s32 $0x24200, s9;
	s18 =	sadd.s32 s0, s15  }
0x12: {  	s17 =	sshll.u32 s17, $0x4;
	s16 =	sadd.s32 s6, s15;
	[dreg:$0xa] =	wrdreg s18  }
0x13: {  	s19 =	sadd.s32 s7, s15;
	s15 =	sadd.s32 s8, s15;
	[dreg:$0xb] =	wrdreg s16  }
0x14: {  	s21 =	sadd.s32 s10, s20;
	s22 =	sadd.s32 s12, s20;
	[dreg:$0xc] =	wrdreg s19  }
0x15: {  	s23 =	sadd.s32 s13, s20;
	s24 =	sadd.s32 s14, s20;
	[dreg:$0xd] =	wrdreg s15  }
0x16: {  	s26 =	sadd.s32 s0, s25;
	s31 =	sadd.s32 s6, s25;
	[dreg:$0xe] =	wrdreg s21  }
0x17: {  	s30 =	sadd.s32 s7, s25;
	s29 =	sadd.s32 s8, s25;
	[dreg:$0xf] =	wrdreg s22  }
0x18: {  	s28 =	sadd.s32 s10, s17;
	s25 =	sadd.s32 s13, s17;
	[dreg:$0x10] =	wrdreg s23  }
0x19: {  	s20 =	sshll.u32 s11, $0x4;
	s18 =	sshrl.u32 s1, $0x1;
	[dreg:$0x11] =	wrdreg s24  }
0x1a: {  	[dreg:$0x12] =	wrdreg s26;
	s26 =	sadd.s32 s12, s17;
	s24 =	sadd.s32 s14, s17  }
0x1b: {  	s15 =	simm.s32 $0x200;
	s16 =	simm.s32 $0x1;
	s1 =	ssub.s32 s1, s18  }
0x1c: {  	s18 =	sshrl.u32 s11, $0x3;
	s11 =	sadd.s32 s10, s20;
	s22 =	smax.u32 s1, $0x1  }
0x1d: {  	s10 =	sadd.s32 s12, s20;
	s12 =	simm.s32 $0xC200;
	p1 =	sne.s32 s22, $0x1  }
.Ltmp0:
0x1e: {  	s23 =	sadd.s32 s0, s18;
	s21 =	sadd.s32 s6, s18;
	(pc) =	sbr.rel @!p1 .LBB2_3-.Ltmp0, $4  }
0x1f: {  	s19 =	sadd.s32 s7, s18;
	s17 =	sadd.s32 s8, s18;
	s8 =	sadd.s32 s13, s20  }
0x20: {  	s7 =	sadd.s32 s14, s20;
	s6 =	simm.s32 $0x2;
	s18 =	simm.s32 $0x80  }
0x21: {  	s20 =	simm.s32 $0x100;
	s14 =	simm.s32 $0x4200;
	s13 =	simm.s32 $0x8200  }
0x22: {  	s1 =	rddreg [dreg:$0x2];
	s0 =	sadd.s32 $0xFFFFFFFF, s22;
	s22 =	simm.s32 $0x180  }
0x23: {  	[tilespmem:s2], [sflag:$0x2] =	stream.linear.gather [hbm4b:s1+s2], $0x80, $0x38;
	[tilespmem:$0x10200] =	vst v63  }
0x24: {  	_ =	swait.ge [sflag:s6], $0x80  }
0x25: {  	[sflag:s6] =	ssyncset.done $0x0  }
0x26: {  	s1 =	rddreg [dreg:$0x3];
	[sflag:s6] =	ssyncadd.s32 $0xFFFFFF80  }
0x27: {  	[tilespmem:s18], [sflag:$0x2] =	stream.linear.gather [hbm4b:s1+s2], $0x80, $0x38;
	[tilespmem:$0x10200] =	vst v63  }
0x28: {  	_ =	swait.ge [sflag:s6], $0x80  }
0x29: {  	[sflag:s6] =	ssyncset.done $0x0  }
0x2a: {  	s1 =	rddreg [dreg:$0x4];
	[sflag:s6] =	ssyncadd.s32 $0xFFFFFF80  }
0x2b: {  	[tilespmem:s20], [sflag:$0x2] =	stream.linear.gather [hbm4b:s1+s2], $0x80, $0x38;
	[tilespmem:$0x10200] =	vst v63  }
0x2c: {  	_ =	swait.ge [sflag:s6], $0x80  }
0x2d: {  	[sflag:s6] =	ssyncset.done $0x0  }
0x2e: {  	s1 =	rddreg [dreg:$0x5];
	[sflag:s6] =	ssyncadd.s32 $0xFFFFFF80  }
0x2f: {  	[tilespmem:s22], [sflag:$0x2] =	stream.linear.gather [hbm4b:s1+s2], $0x80, $0x38;
	[tilespmem:$0x10200] =	vst v63  }
0x30: {  	_ =	swait.ge [sflag:s6], $0x80  }
0x31: {  	[sflag:s6] =	ssyncset.done $0x0  }
0x32: {  	[sflag:s6] =	ssyncadd.s32 $0xFFFFFF80  }
0x33: {  	[tilespmem:s15], [sflag:$0x1] =	stream.indirect.gather [hbm4b:s3+s18], $0x80, s2, s18, $0xb8;
	[tilespmem:$0x10200] =	vst v63  }
0x34: {  	_ = 	snop  }
0x35: {  	[tilespmem:s14], [sflag:$0x1] =	stream.indirect.gather [hbm4b:s4+s18], $0x80, s18, s18, $0xb8;
	[tilespmem:$0x10200] =	vst v63  }
0x36: {  	_ = 	snop  }
0x37: {  	[tilespmem:s13], [sflag:$0x1] =	stream.indirect.gather [hbm4b:s5+s18], $0x80, s20, s18, $0xb8;
	[tilespmem:$0x10200] =	vst v63  }
0x38: {  	_ = 	snop  }
0x39: {  	[tilespmem:s12], [sflag:$0x1] =	stream.indirect.gather [hbm4b:s9+s18], $0x80, s22, s18, $0xb8;
	[tilespmem:$0x10200] =	vst v63  }
0x3a: {  	_ =	swait.ge [sflag:s16], $0x4000  }
0x3b: {  	[sflag:s16] =	ssyncset.done $0x0  }
0x3c: {  	[sflag:s16] =	ssyncadd.s32 $0xFFFFC000  }
0x3d: {  	_ =	swait.ge [sflag:s16], $0x4000  }
0x3e: {  	[sflag:s16] =	ssyncset.done $0x0  }
0x3f: {  	[sflag:s16] =	ssyncadd.s32 $0xFFFFC000  }
0x40: {  	_ =	swait.ge [sflag:s16], $0x4000  }
0x41: {  	[sflag:s16] =	ssyncset.done $0x0  }
0x42: {  	[sflag:s16] =	ssyncadd.s32 $0xFFFFC000  }
0x43: {  	_ =	swait.ge [sflag:s16], $0x4000  }
0x44: {  	[sflag:s16] =	ssyncset.done $0x0  }
0x45: {  	s1 =	rddreg [dreg:$0x6];
	[sflag:s16] =	ssyncadd.s32 $0xFFFFC000  }
0x46: {  	[hbm4b:s1+s2] =	stream.linear.scatter [tilespmem:s15], [sflag:$0x2], $0x4000, $0x38;
	[tilespmem:$0x10200] =	vst v63  }
0x47: {  	_ =	swait.ge [sflag:s6], $0x4000  }
0x48: {  	[sflag:s6] =	ssyncset.done $0x0  }
0x49: {  	s1 =	rddreg [dreg:$0x7];
	[sflag:s6] =	ssyncadd.s32 $0xFFFFC000  }
0x4a: {  	[hbm4b:s1+s2] =	stream.linear.scatter [tilespmem:s14], [sflag:$0x2], $0x4000, $0x38;
	[tilespmem:$0x10200] =	vst v63  }
0x4b: {  	_ =	swait.ge [sflag:s6], $0x4000  }
0x4c: {  	[sflag:s6] =	ssyncset.done $0x0  }
0x4d: {  	s1 =	rddreg [dreg:$0x8];
	[sflag:s6] =	ssyncadd.s32 $0xFFFFC000  }
0x4e: {  	[hbm4b:s1+s2] =	stream.linear.scatter [tilespmem:s13], [sflag:$0x2], $0x4000, $0x38;
	[tilespmem:$0x10200] =	vst v63  }
0x4f: {  	_ =	swait.ge [sflag:s6], $0x4000  }
0x50: {  	[sflag:s6] =	ssyncset.done $0x0  }
0x51: {  	s1 =	rddreg [dreg:$0x9];
	[sflag:s6] =	ssyncadd.s32 $0xFFFFC000  }
0x52: {  	[hbm4b:s1+s2] =	stream.linear.scatter [tilespmem:s12], [sflag:$0x2], $0x4000, $0x38;
	[tilespmem:$0x10200] =	vst v63  }
0x53: {  	_ =	swait.ge [sflag:s6], $0x4000  }
0x54: {  	[sflag:s6] =	ssyncset.done $0x0  }
0x55: {  	s1 =	rddreg [dreg:$0xa];
	[sflag:s6] =	ssyncadd.s32 $0xFFFFC000  }
0x56: {  	[tilespmem:s2], [sflag:$0x2] =	stream.linear.gather [hbm4b:s1+s2], $0x80, $0x38;
	[tilespmem:$0x10200] =	vst v63  }
0x57: {  	_ =	swait.ge [sflag:s6], $0x80  }
0x58: {  	[sflag:s6] =	ssyncset.done $0x0  }
0x59: {  	s1 =	rddreg [dreg:$0xb];
	[sflag:s6] =	ssyncadd.s32 $0xFFFFFF80  }
0x5a: {  	[tilespmem:s18], [sflag:$0x2] =	stream.linear.gather [hbm4b:s1+s2], $0x80, $0x38;
	[tilespmem:$0x10200] =	vst v63  }
0x5b: {  	_ =	swait.ge [sflag:s6], $0x80  }
0x5c: {  	[sflag:s6] =	ssyncset.done $0x0  }
0x5d: {  	s1 =	rddreg [dreg:$0xc];
	[sflag:s6] =	ssyncadd.s32 $0xFFFFFF80  }
0x5e: {  	[tilespmem:s20], [sflag:$0x2] =	stream.linear.gather [hbm4b:s1+s2], $0x80, $0x38;
	[tilespmem:$0x10200] =	vst v63  }
0x5f: {  	_ =	swait.ge [sflag:s6], $0x80  }
0x60: {  	[sflag:s6] =	ssyncset.done $0x0  }
0x61: {  	s1 =	rddreg [dreg:$0xd];
	[sflag:s6] =	ssyncadd.s32 $0xFFFFFF80  }
0x62: {  	[tilespmem:s22], [sflag:$0x2] =	stream.linear.gather [hbm4b:s1+s2], $0x80, $0x38;
	[tilespmem:$0x10200] =	vst v63  }
0x63: {  	_ =	swait.ge [sflag:s6], $0x80  }
0x64: {  	[sflag:s6] =	ssyncset.done $0x0  }
0x65: {  	[sflag:s6] =	ssyncadd.s32 $0xFFFFFF80  }
0x66: {  	[tilespmem:s15], [sflag:$0x1] =	stream.indirect.gather [hbm4b:s3+s18], $0x80, s2, s18, $0xb8;
	[tilespmem:$0x10200] =	vst v63  }
0x67: {  	_ = 	snop  }
0x68: {  	[tilespmem:s14], [sflag:$0x1] =	stream.indirect.gather [hbm4b:s4+s18], $0x80, s18, s18, $0xb8;
	[tilespmem:$0x10200] =	vst v63  }
0x69: {  	_ = 	snop  }
0x6a: {  	[tilespmem:s13], [sflag:$0x1] =	stream.indirect.gather [hbm4b:s5+s18], $0x80, s20, s18, $0xb8;
	[tilespmem:$0x10200] =	vst v63  }
0x6b: {  	_ = 	snop  }
0x6c: {  	[tilespmem:s12], [sflag:$0x1] =	stream.indirect.gather [hbm4b:s9+s18], $0x80, s22, s18, $0xb8;
	[tilespmem:$0x10200] =	vst v63  }
0x6d: {  	_ =	swait.ge [sflag:s16], $0x4000  }
0x6e: {  	[sflag:s16] =	ssyncset.done $0x0  }
0x6f: {  	[sflag:s16] =	ssyncadd.s32 $0xFFFFC000  }
0x70: {  	_ =	swait.ge [sflag:s16], $0x4000  }
0x71: {  	[sflag:s16] =	ssyncset.done $0x0  }
0x72: {  	[sflag:s16] =	ssyncadd.s32 $0xFFFFC000  }
0x73: {  	_ =	swait.ge [sflag:s16], $0x4000  }
0x74: {  	[sflag:s16] =	ssyncset.done $0x0  }
0x75: {  	[sflag:s16] =	ssyncadd.s32 $0xFFFFC000  }
0x76: {  	_ =	swait.ge [sflag:s16], $0x4000  }
0x77: {  	[sflag:s16] =	ssyncset.done $0x0  }
0x78: {  	s1 =	rddreg [dreg:$0xe];
	[sflag:s16] =	ssyncadd.s32 $0xFFFFC000  }
0x79: {  	[hbm4b:s1+s2] =	stream.linear.scatter [tilespmem:s15], [sflag:$0x2], $0x4000, $0x38;
	[tilespmem:$0x10200] =	vst v63  }
0x7a: {  	_ =	swait.ge [sflag:s6], $0x4000  }
0x7b: {  	[sflag:s6] =	ssyncset.done $0x0  }
0x7c: {  	s1 =	rddreg [dreg:$0xf];
	[sflag:s6] =	ssyncadd.s32 $0xFFFFC000  }
0x7d: {  	[hbm4b:s1+s2] =	stream.linear.scatter [tilespmem:s14], [sflag:$0x2], $0x4000, $0x38;
	[tilespmem:$0x10200] =	vst v63  }
0x7e: {  	_ =	swait.ge [sflag:s6], $0x4000  }
0x7f: {  	[sflag:s6] =	ssyncset.done $0x0  }
0x80: {  	s1 =	rddreg [dreg:$0x10];
	[sflag:s6] =	ssyncadd.s32 $0xFFFFC000  }
0x81: {  	[hbm4b:s1+s2] =	stream.linear.scatter [tilespmem:s13], [sflag:$0x2], $0x4000, $0x38;
	[tilespmem:$0x10200] =	vst v63  }
0x82: {  	_ =	swait.ge [sflag:s6], $0x4000  }
0x83: {  	[sflag:s6] =	ssyncset.done $0x0  }
0x84: {  	s1 =	rddreg [dreg:$0x11];
	[sflag:s6] =	ssyncadd.s32 $0xFFFFC000  }
0x85: {  	[hbm4b:s1+s2] =	stream.linear.scatter [tilespmem:s12], [sflag:$0x2], $0x4000, $0x38;
	[tilespmem:$0x10200] =	vst v63  }
0x86: {  	_ =	swait.ge [sflag:s6], $0x4000  }
0x87: {  	[sflag:s6] =	ssyncset.done $0x0  }
0x88: {  	s1 =	rddreg [dreg:$0x12];
	[sflag:s6] =	ssyncadd.s32 $0xFFFFC000  }
0x89: {  	[tilespmem:s2], [sflag:$0x2] =	stream.linear.gather [hbm4b:s1+s2], $0x80, $0x38;
	[tilespmem:$0x10200] =	vst v63  }
0x8a: {  	_ =	swait.ge [sflag:s6], $0x80  }
0x8b: {  	[sflag:s6] =	ssyncset.done $0x0  }
0x8c: {  	[sflag:s6] =	ssyncadd.s32 $0xFFFFFF80  }
0x8d: {  	[tilespmem:s18], [sflag:$0x2] =	stream.linear.gather [hbm4b:s31+s2], $0x80, $0x38;
	[tilespmem:$0x10200] =	vst v63  }
0x8e: {  	_ =	swait.ge [sflag:s6], $0x80  }
0x8f: {  	[sflag:s6] =	ssyncset.done $0x0  }
0x90: {  	[sflag:s6] =	ssyncadd.s32 $0xFFFFFF80  }
0x91: {  	[tilespmem:s20], [sflag:$0x2] =	stream.linear.gather [hbm4b:s30+s2], $0x80, $0x38;
	[tilespmem:$0x10200] =	vst v63  }
0x92: {  	_ =	swait.ge [sflag:s6], $0x80  }
0x93: {  	[sflag:s6] =	ssyncset.done $0x0  }
0x94: {  	[sflag:s6] =	ssyncadd.s32 $0xFFFFFF80  }
0x95: {  	[tilespmem:s22], [sflag:$0x2] =	stream.linear.gather [hbm4b:s29+s2], $0x80, $0x38;
	[tilespmem:$0x10200] =	vst v63  }
0x96: {  	_ =	swait.ge [sflag:s6], $0x80  }
0x97: {  	[sflag:s6] =	ssyncset.done $0x0  }
0x98: {  	[sflag:s6] =	ssyncadd.s32 $0xFFFFFF80  }
0x99: {  	[tilespmem:s15], [sflag:$0x1] =	stream.indirect.gather [hbm4b:s3+s18], $0x80, s2, s18, $0xb8;
	[tilespmem:$0x10200] =	vst v63  }
0x9a: {  	_ = 	snop  }
0x9b: {  	[tilespmem:s14], [sflag:$0x1] =	stream.indirect.gather [hbm4b:s4+s18], $0x80, s18, s18, $0xb8;
	[tilespmem:$0x10200] =	vst v63  }
0x9c: {  	_ = 	snop  }
0x9d: {  	[tilespmem:s13], [sflag:$0x1] =	stream.indirect.gather [hbm4b:s5+s18], $0x80, s20, s18, $0xb8;
	[tilespmem:$0x10200] =	vst v63  }
0x9e: {  	_ = 	snop  }
0x9f: {  	[tilespmem:s12], [sflag:$0x1] =	stream.indirect.gather [hbm4b:s9+s18], $0x80, s22, s18, $0xb8;
	[tilespmem:$0x10200] =	vst v63  }
0xa0: {  	_ =	swait.ge [sflag:s16], $0x4000  }
0xa1: {  	[sflag:s16] =	ssyncset.done $0x0  }
0xa2: {  	[sflag:s16] =	ssyncadd.s32 $0xFFFFC000  }
0xa3: {  	_ =	swait.ge [sflag:s16], $0x4000  }
0xa4: {  	[sflag:s16] =	ssyncset.done $0x0  }
0xa5: {  	[sflag:s16] =	ssyncadd.s32 $0xFFFFC000  }
0xa6: {  	_ =	swait.ge [sflag:s16], $0x4000  }
0xa7: {  	[sflag:s16] =	ssyncset.done $0x0  }
0xa8: {  	[sflag:s16] =	ssyncadd.s32 $0xFFFFC000  }
0xa9: {  	_ =	swait.ge [sflag:s16], $0x4000  }
0xaa: {  	[sflag:s16] =	ssyncset.done $0x0  }
0xab: {  	[sflag:s16] =	ssyncadd.s32 $0xFFFFC000  }
0xac: {  	[hbm4b:s28+s2] =	stream.linear.scatter [tilespmem:s15], [sflag:$0x2], $0x4000, $0x38;
	[tilespmem:$0x10200] =	vst v63  }
0xad: {  	_ =	swait.ge [sflag:s6], $0x4000  }
0xae: {  	[sflag:s6] =	ssyncset.done $0x0  }
0xaf: {  	[sflag:s6] =	ssyncadd.s32 $0xFFFFC000  }
0xb0: {  	[hbm4b:s26+s2] =	stream.linear.scatter [tilespmem:s14], [sflag:$0x2], $0x4000, $0x38;
	[tilespmem:$0x10200] =	vst v63  }
0xb1: {  	_ =	swait.ge [sflag:s6], $0x4000  }
0xb2: {  	[sflag:s6] =	ssyncset.done $0x0  }
0xb3: {  	[sflag:s6] =	ssyncadd.s32 $0xFFFFC000  }
0xb4: {  	[hbm4b:s25+s2] =	stream.linear.scatter [tilespmem:s13], [sflag:$0x2], $0x4000, $0x38;
	[tilespmem:$0x10200] =	vst v63  }
0xb5: {  	_ =	swait.ge [sflag:s6], $0x4000  }
0xb6: {  	[sflag:s6] =	ssyncset.done $0x0  }
0xb7: {  	[sflag:s6] =	ssyncadd.s32 $0xFFFFC000  }
0xb8: {  	[hbm4b:s24+s2] =	stream.linear.scatter [tilespmem:s12], [sflag:$0x2], $0x4000, $0x38;
	[tilespmem:$0x10200] =	vst v63  }
0xb9: {  	_ =	swait.ge [sflag:s6], $0x4000  }
0xba: {  	[sflag:s6] =	ssyncset.done $0x0  }
0xbb: {  	[sflag:s6] =	ssyncadd.s32 $0xFFFFC000  }
0xbc: {  	[tilespmem:s2], [sflag:$0x2] =	stream.linear.gather [hbm4b:s23+s2], $0x80, $0x38;
	[tilespmem:$0x10200] =	vst v63  }
0xbd: {  	_ =	swait.ge [sflag:s6], $0x80  }
0xbe: {  	[sflag:s6] =	ssyncset.done $0x0  }
0xbf: {  	[sflag:s6] =	ssyncadd.s32 $0xFFFFFF80  }
0xc0: {  	[tilespmem:s18], [sflag:$0x2] =	stream.linear.gather [hbm4b:s21+s2], $0x80, $0x38;
	[tilespmem:$0x10200] =	vst v63  }
0xc1: {  	_ =	swait.ge [sflag:s6], $0x80  }
0xc2: {  	[sflag:s6] =	ssyncset.done $0x0  }
0xc3: {  	[sflag:s6] =	ssyncadd.s32 $0xFFFFFF80  }
0xc4: {  	[tilespmem:s20], [sflag:$0x2] =	stream.linear.gather [hbm4b:s19+s2], $0x80, $0x38;
	[tilespmem:$0x10200] =	vst v63  }
0xc5: {  	_ =	swait.ge [sflag:s6], $0x80  }
0xc6: {  	[sflag:s6] =	ssyncset.done $0x0  }
0xc7: {  	[sflag:s6] =	ssyncadd.s32 $0xFFFFFF80  }
0xc8: {  	[tilespmem:s22], [sflag:$0x2] =	stream.linear.gather [hbm4b:s17+s2], $0x80, $0x38;
	[tilespmem:$0x10200] =	vst v63  }
0xc9: {  	_ =	swait.ge [sflag:s6], $0x80  }
0xca: {  	[sflag:s6] =	ssyncset.done $0x0  }
0xcb: {  	[sflag:s6] =	ssyncadd.s32 $0xFFFFFF80  }
0xcc: {  	[tilespmem:s15], [sflag:$0x1] =	stream.indirect.gather [hbm4b:s3+s18], $0x80, s2, s18, $0xb8;
	[tilespmem:$0x10200] =	vst v63  }
0xcd: {  	_ = 	snop  }
0xce: {  	[tilespmem:s14], [sflag:$0x1] =	stream.indirect.gather [hbm4b:s4+s18], $0x80, s18, s18, $0xb8;
	[tilespmem:$0x10200] =	vst v63  }
0xcf: {  	_ = 	snop  }
0xd0: {  	[tilespmem:s13], [sflag:$0x1] =	stream.indirect.gather [hbm4b:s5+s18], $0x80, s20, s18, $0xb8;
	[tilespmem:$0x10200] =	vst v63  }
0xd1: {  	_ = 	snop  }
0xd2: {  	[tilespmem:s12], [sflag:$0x1] =	stream.indirect.gather [hbm4b:s9+s18], $0x80, s22, s18, $0xb8;
	[tilespmem:$0x10200] =	vst v63  }
0xd3: {  	_ =	swait.ge [sflag:s16], $0x4000  }
0xd4: {  	[sflag:s16] =	ssyncset.done $0x0  }
0xd5: {  	[sflag:s16] =	ssyncadd.s32 $0xFFFFC000  }
0xd6: {  	_ =	swait.ge [sflag:s16], $0x4000  }
0xd7: {  	[sflag:s16] =	ssyncset.done $0x0  }
0xd8: {  	[sflag:s16] =	ssyncadd.s32 $0xFFFFC000  }
0xd9: {  	_ =	swait.ge [sflag:s16], $0x4000  }
0xda: {  	[sflag:s16] =	ssyncset.done $0x0  }
0xdb: {  	[sflag:s16] =	ssyncadd.s32 $0xFFFFC000  }
0xdc: {  	_ =	swait.ge [sflag:s16], $0x4000  }
0xdd: {  	[sflag:s16] =	ssyncset.done $0x0  }
0xde: {  	[sflag:s16] =	ssyncadd.s32 $0xFFFFC000  }
0xdf: {  	[hbm4b:s11+s2] =	stream.linear.scatter [tilespmem:s15], [sflag:$0x2], $0x4000, $0x38;
	[tilespmem:$0x10200] =	vst v63  }
0xe0: {  	_ =	swait.ge [sflag:s6], $0x4000  }
0xe1: {  	[sflag:s6] =	ssyncset.done $0x0  }
0xe2: {  	[sflag:s6] =	ssyncadd.s32 $0xFFFFC000  }
0xe3: {  	[hbm4b:s10+s2] =	stream.linear.scatter [tilespmem:s14], [sflag:$0x2], $0x4000, $0x38;
	[tilespmem:$0x10200] =	vst v63  }
0xe4: {  	_ =	swait.ge [sflag:s6], $0x4000  }
0xe5: {  	[sflag:s6] =	ssyncset.done $0x0  }
0xe6: {  	[sflag:s6] =	ssyncadd.s32 $0xFFFFC000  }
0xe7: {  	[hbm4b:s8+s2] =	stream.linear.scatter [tilespmem:s13], [sflag:$0x2], $0x4000, $0x38;
	[tilespmem:$0x10200] =	vst v63  }
0xe8: {  	p1 =	sne.s32 s0, $0x1;
	_ =	swait.ge [sflag:s6], $0x4000  }
.Ltmp1:
0xe9: {  	[sflag:s6] =	ssyncset.done $0x0;
	(pc) =	sbr.rel @!p1 .LBB2_3-.Ltmp1, $4  }
0xea: {  	[sflag:s6] =	ssyncadd.s32 $0xFFFFC000  }
0xeb: {  	[hbm4b:s7+s2] =	stream.linear.scatter [tilespmem:s12], [sflag:$0x2], $0x4000, $0x38;
	[tilespmem:$0x10200] =	vst v63  }
0xec: {  	s0 =	sadd.s32 $0xFFFFFFFF, s0;
	_ =	swait.ge [sflag:s6], $0x4000  }
0xed: {  	p0 =	por $0x1, $0x1;
	s1 =	rddreg [dreg:$0x2];
	[sflag:s6] =	ssyncset.done $0x0  }
.LBB2_2:
0xee: {  	[sflag:s6] =	ssyncadd.s32 $0xFFFFC000  }
0xef: {  	[tilespmem:s2], [sflag:$0x2] =	stream.linear.gather [hbm4b:s1+s2], $0x80, $0x38;
	[tilespmem:$0x10200] =	vst v63  }
0xf0: {  	_ =	swait.ge [sflag:s6], $0x80  }
0xf1: {  	[sflag:s6] =	ssyncset.done $0x0  }
0xf2: {  	s1 =	rddreg [dreg:$0x3];
	[sflag:s6] =	ssyncadd.s32 $0xFFFFFF80  }
0xf3: {  	[tilespmem:s18], [sflag:$0x2] =	stream.linear.gather [hbm4b:s1+s2], $0x80, $0x38;
	[tilespmem:$0x10200] =	vst v63  }
0xf4: {  	_ =	swait.ge [sflag:s6], $0x80  }
0xf5: {  	[sflag:s6] =	ssyncset.done $0x0  }
0xf6: {  	s1 =	rddreg [dreg:$0x4];
	[sflag:s6] =	ssyncadd.s32 $0xFFFFFF80  }
0xf7: {  	[tilespmem:s20], [sflag:$0x2] =	stream.linear.gather [hbm4b:s1+s2], $0x80, $0x38;
	[tilespmem:$0x10200] =	vst v63  }
0xf8: {  	_ =	swait.ge [sflag:s6], $0x80  }
0xf9: {  	[sflag:s6] =	ssyncset.done $0x0  }
0xfa: {  	s1 =	rddreg [dreg:$0x5];
	[sflag:s6] =	ssyncadd.s32 $0xFFFFFF80  }
0xfb: {  	[tilespmem:s22], [sflag:$0x2] =	stream.linear.gather [hbm4b:s1+s2], $0x80, $0x38;
	[tilespmem:$0x10200] =	vst v63  }
0xfc: {  	_ =	swait.ge [sflag:s6], $0x80  }
0xfd: {  	[sflag:s6] =	ssyncset.done $0x0  }
0xfe: {  	[sflag:s6] =	ssyncadd.s32 $0xFFFFFF80  }
0xff: {  	[tilespmem:s15], [sflag:$0x1] =	stream.indirect.gather [hbm4b:s3+s18], $0x80, s2, s18, $0xb8;
	[tilespmem:$0x10200] =	vst v63  }
0x100: {  	_ = 	snop  }
0x101: {  	[tilespmem:s14], [sflag:$0x1] =	stream.indirect.gather [hbm4b:s4+s18], $0x80, s18, s18, $0xb8;
	[tilespmem:$0x10200] =	vst v63  }
0x102: {  	_ = 	snop  }
0x103: {  	[tilespmem:s13], [sflag:$0x1] =	stream.indirect.gather [hbm4b:s5+s18], $0x80, s20, s18, $0xb8;
	[tilespmem:$0x10200] =	vst v63  }
0x104: {  	_ = 	snop  }
0x105: {  	[tilespmem:s12], [sflag:$0x1] =	stream.indirect.gather [hbm4b:s9+s18], $0x80, s22, s18, $0xb8;
	[tilespmem:$0x10200] =	vst v63  }
0x106: {  	_ =	swait.ge [sflag:s16], $0x4000  }
0x107: {  	[sflag:s16] =	ssyncset.done $0x0  }
0x108: {  	[sflag:s16] =	ssyncadd.s32 $0xFFFFC000  }
0x109: {  	_ =	swait.ge [sflag:s16], $0x4000  }
0x10a: {  	[sflag:s16] =	ssyncset.done $0x0  }
0x10b: {  	[sflag:s16] =	ssyncadd.s32 $0xFFFFC000  }
0x10c: {  	_ =	swait.ge [sflag:s16], $0x4000  }
0x10d: {  	[sflag:s16] =	ssyncset.done $0x0  }
0x10e: {  	[sflag:s16] =	ssyncadd.s32 $0xFFFFC000  }
0x10f: {  	_ =	swait.ge [sflag:s16], $0x4000  }
0x110: {  	[sflag:s16] =	ssyncset.done $0x0  }
0x111: {  	s1 =	rddreg [dreg:$0x6];
	[sflag:s16] =	ssyncadd.s32 $0xFFFFC000  }
0x112: {  	[hbm4b:s1+s2] =	stream.linear.scatter [tilespmem:s15], [sflag:$0x2], $0x4000, $0x38;
	[tilespmem:$0x10200] =	vst v63  }
0x113: {  	_ =	swait.ge [sflag:s6], $0x4000  }
0x114: {  	[sflag:s6] =	ssyncset.done $0x0  }
0x115: {  	s1 =	rddreg [dreg:$0x7];
	[sflag:s6] =	ssyncadd.s32 $0xFFFFC000  }
0x116: {  	[hbm4b:s1+s2] =	stream.linear.scatter [tilespmem:s14], [sflag:$0x2], $0x4000, $0x38;
	[tilespmem:$0x10200] =	vst v63  }
0x117: {  	_ =	swait.ge [sflag:s6], $0x4000  }
0x118: {  	[sflag:s6] =	ssyncset.done $0x0  }
0x119: {  	s1 =	rddreg [dreg:$0x8];
	[sflag:s6] =	ssyncadd.s32 $0xFFFFC000  }
0x11a: {  	[hbm4b:s1+s2] =	stream.linear.scatter [tilespmem:s13], [sflag:$0x2], $0x4000, $0x38;
	[tilespmem:$0x10200] =	vst v63  }
0x11b: {  	_ =	swait.ge [sflag:s6], $0x4000  }
0x11c: {  	[sflag:s6] =	ssyncset.done $0x0  }
0x11d: {  	s1 =	rddreg [dreg:$0x9];
	[sflag:s6] =	ssyncadd.s32 $0xFFFFC000  }
0x11e: {  	[hbm4b:s1+s2] =	stream.linear.scatter [tilespmem:s12], [sflag:$0x2], $0x4000, $0x38;
	[tilespmem:$0x10200] =	vst v63  }
0x11f: {  	_ =	swait.ge [sflag:s6], $0x4000  }
0x120: {  	[sflag:s6] =	ssyncset.done $0x0  }
0x121: {  	s1 =	rddreg [dreg:$0xa];
	[sflag:s6] =	ssyncadd.s32 $0xFFFFC000  }
0x122: {  	[tilespmem:s2], [sflag:$0x2] =	stream.linear.gather [hbm4b:s1+s2], $0x80, $0x38;
	[tilespmem:$0x10200] =	vst v63  }
0x123: {  	_ =	swait.ge [sflag:s6], $0x80  }
0x124: {  	[sflag:s6] =	ssyncset.done $0x0  }
0x125: {  	s1 =	rddreg [dreg:$0xb];
	[sflag:s6] =	ssyncadd.s32 $0xFFFFFF80  }
0x126: {  	[tilespmem:s18], [sflag:$0x2] =	stream.linear.gather [hbm4b:s1+s2], $0x80, $0x38;
	[tilespmem:$0x10200] =	vst v63  }
0x127: {  	_ =	swait.ge [sflag:s6], $0x80  }
0x128: {  	[sflag:s6] =	ssyncset.done $0x0  }
0x129: {  	s1 =	rddreg [dreg:$0xc];
	[sflag:s6] =	ssyncadd.s32 $0xFFFFFF80  }
0x12a: {  	[tilespmem:s20], [sflag:$0x2] =	stream.linear.gather [hbm4b:s1+s2], $0x80, $0x38;
	[tilespmem:$0x10200] =	vst v63  }
0x12b: {  	_ =	swait.ge [sflag:s6], $0x80  }
0x12c: {  	[sflag:s6] =	ssyncset.done $0x0  }
0x12d: {  	s1 =	rddreg [dreg:$0xd];
	[sflag:s6] =	ssyncadd.s32 $0xFFFFFF80  }
0x12e: {  	[tilespmem:s22], [sflag:$0x2] =	stream.linear.gather [hbm4b:s1+s2], $0x80, $0x38;
	[tilespmem:$0x10200] =	vst v63  }
0x12f: {  	_ =	swait.ge [sflag:s6], $0x80  }
0x130: {  	[sflag:s6] =	ssyncset.done $0x0  }
0x131: {  	[sflag:s6] =	ssyncadd.s32 $0xFFFFFF80  }
0x132: {  	[tilespmem:s15], [sflag:$0x1] =	stream.indirect.gather [hbm4b:s3+s18], $0x80, s2, s18, $0xb8;
	[tilespmem:$0x10200] =	vst v63  }
0x133: {  	_ = 	snop  }
0x134: {  	[tilespmem:s14], [sflag:$0x1] =	stream.indirect.gather [hbm4b:s4+s18], $0x80, s18, s18, $0xb8;
	[tilespmem:$0x10200] =	vst v63  }
0x135: {  	_ = 	snop  }
0x136: {  	[tilespmem:s13], [sflag:$0x1] =	stream.indirect.gather [hbm4b:s5+s18], $0x80, s20, s18, $0xb8;
	[tilespmem:$0x10200] =	vst v63  }
0x137: {  	_ = 	snop  }
0x138: {  	[tilespmem:s12], [sflag:$0x1] =	stream.indirect.gather [hbm4b:s9+s18], $0x80, s22, s18, $0xb8;
	[tilespmem:$0x10200] =	vst v63  }
0x139: {  	_ =	swait.ge [sflag:s16], $0x4000  }
0x13a: {  	[sflag:s16] =	ssyncset.done $0x0  }
0x13b: {  	[sflag:s16] =	ssyncadd.s32 $0xFFFFC000  }
0x13c: {  	_ =	swait.ge [sflag:s16], $0x4000  }
0x13d: {  	[sflag:s16] =	ssyncset.done $0x0  }
0x13e: {  	[sflag:s16] =	ssyncadd.s32 $0xFFFFC000  }
0x13f: {  	_ =	swait.ge [sflag:s16], $0x4000  }
0x140: {  	[sflag:s16] =	ssyncset.done $0x0  }
0x141: {  	[sflag:s16] =	ssyncadd.s32 $0xFFFFC000  }
0x142: {  	_ =	swait.ge [sflag:s16], $0x4000  }
0x143: {  	[sflag:s16] =	ssyncset.done $0x0  }
0x144: {  	s1 =	rddreg [dreg:$0xe];
	[sflag:s16] =	ssyncadd.s32 $0xFFFFC000  }
0x145: {  	[hbm4b:s1+s2] =	stream.linear.scatter [tilespmem:s15], [sflag:$0x2], $0x4000, $0x38;
	[tilespmem:$0x10200] =	vst v63  }
0x146: {  	_ =	swait.ge [sflag:s6], $0x4000  }
0x147: {  	[sflag:s6] =	ssyncset.done $0x0  }
0x148: {  	s1 =	rddreg [dreg:$0xf];
	[sflag:s6] =	ssyncadd.s32 $0xFFFFC000  }
0x149: {  	[hbm4b:s1+s2] =	stream.linear.scatter [tilespmem:s14], [sflag:$0x2], $0x4000, $0x38;
	[tilespmem:$0x10200] =	vst v63  }
0x14a: {  	_ =	swait.ge [sflag:s6], $0x4000  }
0x14b: {  	[sflag:s6] =	ssyncset.done $0x0  }
0x14c: {  	s1 =	rddreg [dreg:$0x10];
	[sflag:s6] =	ssyncadd.s32 $0xFFFFC000  }
0x14d: {  	[hbm4b:s1+s2] =	stream.linear.scatter [tilespmem:s13], [sflag:$0x2], $0x4000, $0x38;
	[tilespmem:$0x10200] =	vst v63  }
0x14e: {  	_ =	swait.ge [sflag:s6], $0x4000  }
0x14f: {  	[sflag:s6] =	ssyncset.done $0x0  }
0x150: {  	s1 =	rddreg [dreg:$0x11];
	[sflag:s6] =	ssyncadd.s32 $0xFFFFC000  }
0x151: {  	[hbm4b:s1+s2] =	stream.linear.scatter [tilespmem:s12], [sflag:$0x2], $0x4000, $0x38;
	[tilespmem:$0x10200] =	vst v63  }
0x152: {  	_ =	swait.ge [sflag:s6], $0x4000  }
0x153: {  	[sflag:s6] =	ssyncset.done $0x0  }
0x154: {  	s1 =	rddreg [dreg:$0x12];
	[sflag:s6] =	ssyncadd.s32 $0xFFFFC000  }
0x155: {  	[tilespmem:s2], [sflag:$0x2] =	stream.linear.gather [hbm4b:s1+s2], $0x80, $0x38;
	[tilespmem:$0x10200] =	vst v63  }
0x156: {  	_ =	swait.ge [sflag:s6], $0x80  }
0x157: {  	[sflag:s6] =	ssyncset.done $0x0  }
0x158: {  	[sflag:s6] =	ssyncadd.s32 $0xFFFFFF80  }
0x159: {  	[tilespmem:s18], [sflag:$0x2] =	stream.linear.gather [hbm4b:s31+s2], $0x80, $0x38;
	[tilespmem:$0x10200] =	vst v63  }
0x15a: {  	_ =	swait.ge [sflag:s6], $0x80  }
0x15b: {  	[sflag:s6] =	ssyncset.done $0x0  }
0x15c: {  	[sflag:s6] =	ssyncadd.s32 $0xFFFFFF80  }
0x15d: {  	[tilespmem:s20], [sflag:$0x2] =	stream.linear.gather [hbm4b:s30+s2], $0x80, $0x38;
	[tilespmem:$0x10200] =	vst v63  }
0x15e: {  	_ =	swait.ge [sflag:s6], $0x80  }
0x15f: {  	[sflag:s6] =	ssyncset.done $0x0  }
0x160: {  	[sflag:s6] =	ssyncadd.s32 $0xFFFFFF80  }
0x161: {  	[tilespmem:s22], [sflag:$0x2] =	stream.linear.gather [hbm4b:s29+s2], $0x80, $0x38;
	[tilespmem:$0x10200] =	vst v63  }
0x162: {  	_ =	swait.ge [sflag:s6], $0x80  }
0x163: {  	[sflag:s6] =	ssyncset.done $0x0  }
0x164: {  	[sflag:s6] =	ssyncadd.s32 $0xFFFFFF80  }
0x165: {  	[tilespmem:s15], [sflag:$0x1] =	stream.indirect.gather [hbm4b:s3+s18], $0x80, s2, s18, $0xb8;
	[tilespmem:$0x10200] =	vst v63  }
0x166: {  	_ = 	snop  }
0x167: {  	[tilespmem:s14], [sflag:$0x1] =	stream.indirect.gather [hbm4b:s4+s18], $0x80, s18, s18, $0xb8;
	[tilespmem:$0x10200] =	vst v63  }
0x168: {  	_ = 	snop  }
0x169: {  	[tilespmem:s13], [sflag:$0x1] =	stream.indirect.gather [hbm4b:s5+s18], $0x80, s20, s18, $0xb8;
	[tilespmem:$0x10200] =	vst v63  }
0x16a: {  	_ = 	snop  }
0x16b: {  	[tilespmem:s12], [sflag:$0x1] =	stream.indirect.gather [hbm4b:s9+s18], $0x80, s22, s18, $0xb8;
	[tilespmem:$0x10200] =	vst v63  }
0x16c: {  	_ =	swait.ge [sflag:s16], $0x4000  }
0x16d: {  	[sflag:s16] =	ssyncset.done $0x0  }
0x16e: {  	[sflag:s16] =	ssyncadd.s32 $0xFFFFC000  }
0x16f: {  	_ =	swait.ge [sflag:s16], $0x4000  }
0x170: {  	[sflag:s16] =	ssyncset.done $0x0  }
0x171: {  	[sflag:s16] =	ssyncadd.s32 $0xFFFFC000  }
0x172: {  	_ =	swait.ge [sflag:s16], $0x4000  }
0x173: {  	[sflag:s16] =	ssyncset.done $0x0  }
0x174: {  	[sflag:s16] =	ssyncadd.s32 $0xFFFFC000  }
0x175: {  	_ =	swait.ge [sflag:s16], $0x4000  }
0x176: {  	[sflag:s16] =	ssyncset.done $0x0  }
0x177: {  	[sflag:s16] =	ssyncadd.s32 $0xFFFFC000  }
0x178: {  	[hbm4b:s28+s2] =	stream.linear.scatter [tilespmem:s15], [sflag:$0x2], $0x4000, $0x38;
	[tilespmem:$0x10200] =	vst v63  }
0x179: {  	_ =	swait.ge [sflag:s6], $0x4000  }
0x17a: {  	[sflag:s6] =	ssyncset.done $0x0  }
0x17b: {  	[sflag:s6] =	ssyncadd.s32 $0xFFFFC000  }
0x17c: {  	[hbm4b:s26+s2] =	stream.linear.scatter [tilespmem:s14], [sflag:$0x2], $0x4000, $0x38;
	[tilespmem:$0x10200] =	vst v63  }
0x17d: {  	_ =	swait.ge [sflag:s6], $0x4000  }
0x17e: {  	[sflag:s6] =	ssyncset.done $0x0  }
0x17f: {  	[sflag:s6] =	ssyncadd.s32 $0xFFFFC000  }
0x180: {  	[hbm4b:s25+s2] =	stream.linear.scatter [tilespmem:s13], [sflag:$0x2], $0x4000, $0x38;
	[tilespmem:$0x10200] =	vst v63  }
0x181: {  	_ =	swait.ge [sflag:s6], $0x4000  }
0x182: {  	[sflag:s6] =	ssyncset.done $0x0  }
0x183: {  	[sflag:s6] =	ssyncadd.s32 $0xFFFFC000  }
0x184: {  	[hbm4b:s24+s2] =	stream.linear.scatter [tilespmem:s12], [sflag:$0x2], $0x4000, $0x38;
	[tilespmem:$0x10200] =	vst v63  }
0x185: {  	_ =	swait.ge [sflag:s6], $0x4000  }
0x186: {  	[sflag:s6] =	ssyncset.done $0x0  }
0x187: {  	[sflag:s6] =	ssyncadd.s32 $0xFFFFC000  }
0x188: {  	[tilespmem:s2], [sflag:$0x2] =	stream.linear.gather [hbm4b:s23+s2], $0x80, $0x38;
	[tilespmem:$0x10200] =	vst v63  }
0x189: {  	_ =	swait.ge [sflag:s6], $0x80  }
0x18a: {  	[sflag:s6] =	ssyncset.done $0x0  }
0x18b: {  	[sflag:s6] =	ssyncadd.s32 $0xFFFFFF80  }
0x18c: {  	[tilespmem:s18], [sflag:$0x2] =	stream.linear.gather [hbm4b:s21+s2], $0x80, $0x38;
	[tilespmem:$0x10200] =	vst v63  }
0x18d: {  	_ =	swait.ge [sflag:s6], $0x80  }
0x18e: {  	[sflag:s6] =	ssyncset.done $0x0  }
0x18f: {  	[sflag:s6] =	ssyncadd.s32 $0xFFFFFF80  }
0x190: {  	[tilespmem:s20], [sflag:$0x2] =	stream.linear.gather [hbm4b:s19+s2], $0x80, $0x38;
	[tilespmem:$0x10200] =	vst v63  }
0x191: {  	_ =	swait.ge [sflag:s6], $0x80  }
0x192: {  	[sflag:s6] =	ssyncset.done $0x0  }
0x193: {  	[sflag:s6] =	ssyncadd.s32 $0xFFFFFF80  }
0x194: {  	[tilespmem:s22], [sflag:$0x2] =	stream.linear.gather [hbm4b:s17+s2], $0x80, $0x38;
	[tilespmem:$0x10200] =	vst v63  }
0x195: {  	_ =	swait.ge [sflag:s6], $0x80  }
0x196: {  	[sflag:s6] =	ssyncset.done $0x0  }
0x197: {  	[sflag:s6] =	ssyncadd.s32 $0xFFFFFF80  }
0x198: {  	[tilespmem:s15], [sflag:$0x1] =	stream.indirect.gather [hbm4b:s3+s18], $0x80, s2, s18, $0xb8;
	[tilespmem:$0x10200] =	vst v63  }
0x199: {  	_ = 	snop  }
0x19a: {  	[tilespmem:s14], [sflag:$0x1] =	stream.indirect.gather [hbm4b:s4+s18], $0x80, s18, s18, $0xb8;
	[tilespmem:$0x10200] =	vst v63  }
0x19b: {  	_ = 	snop  }
0x19c: {  	[tilespmem:s13], [sflag:$0x1] =	stream.indirect.gather [hbm4b:s5+s18], $0x80, s20, s18, $0xb8;
	[tilespmem:$0x10200] =	vst v63  }
0x19d: {  	_ = 	snop  }
0x19e: {  	[tilespmem:s12], [sflag:$0x1] =	stream.indirect.gather [hbm4b:s9+s18], $0x80, s22, s18, $0xb8;
	[tilespmem:$0x10200] =	vst v63  }
0x19f: {  	_ =	swait.ge [sflag:s16], $0x4000  }
0x1a0: {  	[sflag:s16] =	ssyncset.done $0x0  }
0x1a1: {  	[sflag:s16] =	ssyncadd.s32 $0xFFFFC000  }
0x1a2: {  	_ =	swait.ge [sflag:s16], $0x4000  }
0x1a3: {  	[sflag:s16] =	ssyncset.done $0x0  }
0x1a4: {  	[sflag:s16] =	ssyncadd.s32 $0xFFFFC000  }
0x1a5: {  	_ =	swait.ge [sflag:s16], $0x4000  }
0x1a6: {  	[sflag:s16] =	ssyncset.done $0x0  }
0x1a7: {  	[sflag:s16] =	ssyncadd.s32 $0xFFFFC000  }
0x1a8: {  	_ =	swait.ge [sflag:s16], $0x4000  }
0x1a9: {  	[sflag:s16] =	ssyncset.done $0x0  }
0x1aa: {  	[sflag:s16] =	ssyncadd.s32 $0xFFFFC000  }
0x1ab: {  	[hbm4b:s11+s2] =	stream.linear.scatter [tilespmem:s15], [sflag:$0x2], $0x4000, $0x38;
	[tilespmem:$0x10200] =	vst v63  }
0x1ac: {  	_ =	swait.ge [sflag:s6], $0x4000  }
0x1ad: {  	[sflag:s6] =	ssyncset.done $0x0  }
0x1ae: {  	[sflag:s6] =	ssyncadd.s32 $0xFFFFC000  }
0x1af: {  	[hbm4b:s10+s2] =	stream.linear.scatter [tilespmem:s14], [sflag:$0x2], $0x4000, $0x38;
	[tilespmem:$0x10200] =	vst v63  }
0x1b0: {  	_ =	swait.ge [sflag:s6], $0x4000  }
0x1b1: {  	[sflag:s6] =	ssyncset.done $0x0  }
0x1b2: {  	[sflag:s6] =	ssyncadd.s32 $0xFFFFC000  }
0x1b3: {  	[hbm4b:s8+s2] =	stream.linear.scatter [tilespmem:s13], [sflag:$0x2], $0x4000, $0x38;
	[tilespmem:$0x10200] =	vst v63  }
0x1b4: {  	p1 =	sne.s32 s0, $0x1;
	_ =	swait.ge [sflag:s6], $0x4000  }
.Ltmp2:
0x1b5: {  	[sflag:s6] =	ssyncset.done $0x0;
	(pc) =	sbr.rel @p1 .LBB2_2-.Ltmp2, $4  }
0x1b6: {  	[sflag:s6] =	ssyncadd.s32 $0xFFFFC000  }
0x1b7: {  	[hbm4b:s7+s2] =	stream.linear.scatter [tilespmem:s12], [sflag:$0x2], $0x4000, $0x38;
	[tilespmem:$0x10200] =	vst v63  }
0x1b8: {  	_ =	swait.ge [sflag:s6], $0x4000  }
0x1b9: {  	s0 =	sadd.s32 $0xFFFFFFFF, s0;
	s1 =	rddreg [dreg:$0x2];
	[sflag:s6] =	ssyncset.done $0x0  }
.LBB2_3:
0x1ba: {  	[sflag:s6] =	ssyncadd.s32 @p0 $0xFFFFC000  }
0x1bb: {  	[tilespmem:s2], [sflag:$0x2] =	stream.linear.gather [hbm4b:s1+s2], $0x80, $0x38;
	[tilespmem:$0x10200] =	vst v63  }
0x1bc: {  	_ =	swait.ge [sflag:s6], $0x80  }
0x1bd: {  	[sflag:s6] =	ssyncset.done $0x0  }
0x1be: {  	s0 =	rddreg [dreg:$0x3];
	[sflag:s6] =	ssyncadd.s32 $0xFFFFFF80  }
0x1bf: {  	[tilespmem:s18], [sflag:$0x2] =	stream.linear.gather [hbm4b:s0+s2], $0x80, $0x38;
	[tilespmem:$0x10200] =	vst v63  }
0x1c0: {  	_ =	swait.ge [sflag:s6], $0x80  }
0x1c1: {  	[sflag:s6] =	ssyncset.done $0x0  }
0x1c2: {  	s1 =	rddreg [dreg:$0x4];
	[sflag:s6] =	ssyncadd.s32 $0xFFFFFF80  }
0x1c3: {  	[tilespmem:s20], [sflag:$0x2] =	stream.linear.gather [hbm4b:s1+s2], $0x80, $0x38;
	[tilespmem:$0x10200] =	vst v63  }
0x1c4: {  	_ =	swait.ge [sflag:s6], $0x80  }
0x1c5: {  	[sflag:s6] =	ssyncset.done $0x0  }
0x1c6: {  	s1 =	rddreg [dreg:$0x5];
	[sflag:s6] =	ssyncadd.s32 $0xFFFFFF80  }
0x1c7: {  	[tilespmem:s22], [sflag:$0x2] =	stream.linear.gather [hbm4b:s1+s2], $0x80, $0x38;
	[tilespmem:$0x10200] =	vst v63  }
0x1c8: {  	_ =	swait.ge [sflag:s6], $0x80  }
0x1c9: {  	[sflag:s6] =	ssyncset.done $0x0  }
0x1ca: {  	[sflag:s6] =	ssyncadd.s32 $0xFFFFFF80  }
0x1cb: {  	[tilespmem:s15], [sflag:$0x1] =	stream.indirect.gather [hbm4b:s3+s18], $0x80, s2, s18, $0xb8;
	[tilespmem:$0x10200] =	vst v63  }
0x1cc: {  	_ = 	snop  }
0x1cd: {  	[tilespmem:s14], [sflag:$0x1] =	stream.indirect.gather [hbm4b:s4+s18], $0x80, s18, s18, $0xb8;
	[tilespmem:$0x10200] =	vst v63  }
0x1ce: {  	_ = 	snop  }
0x1cf: {  	[tilespmem:s13], [sflag:$0x1] =	stream.indirect.gather [hbm4b:s5+s18], $0x80, s20, s18, $0xb8;
	[tilespmem:$0x10200] =	vst v63  }
0x1d0: {  	_ = 	snop  }
0x1d1: {  	[tilespmem:s12], [sflag:$0x1] =	stream.indirect.gather [hbm4b:s9+s18], $0x80, s22, s18, $0xb8;
	[tilespmem:$0x10200] =	vst v63  }
0x1d2: {  	_ =	swait.ge [sflag:s16], $0x4000  }
0x1d3: {  	[sflag:s16] =	ssyncset.done $0x0  }
0x1d4: {  	[sflag:s16] =	ssyncadd.s32 $0xFFFFC000  }
0x1d5: {  	_ =	swait.ge [sflag:s16], $0x4000  }
0x1d6: {  	[sflag:s16] =	ssyncset.done $0x0  }
0x1d7: {  	[sflag:s16] =	ssyncadd.s32 $0xFFFFC000  }
0x1d8: {  	_ =	swait.ge [sflag:s16], $0x4000  }
0x1d9: {  	[sflag:s16] =	ssyncset.done $0x0  }
0x1da: {  	[sflag:s16] =	ssyncadd.s32 $0xFFFFC000  }
0x1db: {  	_ =	swait.ge [sflag:s16], $0x4000  }
0x1dc: {  	[sflag:s16] =	ssyncset.done $0x0  }
0x1dd: {  	s1 =	rddreg [dreg:$0x6];
	[sflag:s16] =	ssyncadd.s32 $0xFFFFC000  }
0x1de: {  	[hbm4b:s1+s2] =	stream.linear.scatter [tilespmem:s15], [sflag:$0x2], $0x4000, $0x38;
	[tilespmem:$0x10200] =	vst v63  }
0x1df: {  	_ =	swait.ge [sflag:s6], $0x4000  }
0x1e0: {  	[sflag:s6] =	ssyncset.done $0x0  }
0x1e1: {  	s1 =	rddreg [dreg:$0x7];
	[sflag:s6] =	ssyncadd.s32 $0xFFFFC000  }
0x1e2: {  	[hbm4b:s1+s2] =	stream.linear.scatter [tilespmem:s14], [sflag:$0x2], $0x4000, $0x38;
	[tilespmem:$0x10200] =	vst v63  }
0x1e3: {  	_ =	swait.ge [sflag:s6], $0x4000  }
0x1e4: {  	[sflag:s6] =	ssyncset.done $0x0  }
0x1e5: {  	s1 =	rddreg [dreg:$0x8];
	[sflag:s6] =	ssyncadd.s32 $0xFFFFC000  }
0x1e6: {  	[hbm4b:s1+s2] =	stream.linear.scatter [tilespmem:s13], [sflag:$0x2], $0x4000, $0x38;
	[tilespmem:$0x10200] =	vst v63  }
0x1e7: {  	_ =	swait.ge [sflag:s6], $0x4000  }
0x1e8: {  	[sflag:s6] =	ssyncset.done $0x0  }
0x1e9: {  	s1 =	rddreg [dreg:$0x9];
	[sflag:s6] =	ssyncadd.s32 $0xFFFFC000  }
0x1ea: {  	[hbm4b:s1+s2] =	stream.linear.scatter [tilespmem:s12], [sflag:$0x2], $0x4000, $0x38;
	[tilespmem:$0x10200] =	vst v63  }
0x1eb: {  	_ =	swait.ge [sflag:s6], $0x4000  }
0x1ec: {  	[sflag:s6] =	ssyncset.done $0x0  }
0x1ed: {  	s1 =	rddreg [dreg:$0xa];
	[sflag:s6] =	ssyncadd.s32 $0xFFFFC000  }
0x1ee: {  	[tilespmem:s2], [sflag:$0x2] =	stream.linear.gather [hbm4b:s1+s2], $0x80, $0x38;
	[tilespmem:$0x10200] =	vst v63  }
0x1ef: {  	_ =	swait.ge [sflag:s6], $0x80  }
0x1f0: {  	[sflag:s6] =	ssyncset.done $0x0  }
0x1f1: {  	s1 =	rddreg [dreg:$0xb];
	[sflag:s6] =	ssyncadd.s32 $0xFFFFFF80  }
0x1f2: {  	[tilespmem:s18], [sflag:$0x2] =	stream.linear.gather [hbm4b:s1+s2], $0x80, $0x38;
	[tilespmem:$0x10200] =	vst v63  }
0x1f3: {  	_ =	swait.ge [sflag:s6], $0x80  }
0x1f4: {  	[sflag:s6] =	ssyncset.done $0x0  }
0x1f5: {  	s1 =	rddreg [dreg:$0xc];
	[sflag:s6] =	ssyncadd.s32 $0xFFFFFF80  }
0x1f6: {  	[tilespmem:s20], [sflag:$0x2] =	stream.linear.gather [hbm4b:s1+s2], $0x80, $0x38;
	[tilespmem:$0x10200] =	vst v63  }
0x1f7: {  	_ =	swait.ge [sflag:s6], $0x80  }
0x1f8: {  	[sflag:s6] =	ssyncset.done $0x0  }
0x1f9: {  	s1 =	rddreg [dreg:$0xd];
	[sflag:s6] =	ssyncadd.s32 $0xFFFFFF80  }
0x1fa: {  	[tilespmem:s22], [sflag:$0x2] =	stream.linear.gather [hbm4b:s1+s2], $0x80, $0x38;
	[tilespmem:$0x10200] =	vst v63  }
0x1fb: {  	_ =	swait.ge [sflag:s6], $0x80  }
0x1fc: {  	[sflag:s6] =	ssyncset.done $0x0  }
0x1fd: {  	[sflag:s6] =	ssyncadd.s32 $0xFFFFFF80  }
0x1fe: {  	[tilespmem:s15], [sflag:$0x1] =	stream.indirect.gather [hbm4b:s3+s18], $0x80, s2, s18, $0xb8;
	[tilespmem:$0x10200] =	vst v63  }
0x1ff: {  	_ = 	snop  }
0x200: {  	[tilespmem:s14], [sflag:$0x1] =	stream.indirect.gather [hbm4b:s4+s18], $0x80, s18, s18, $0xb8;
	[tilespmem:$0x10200] =	vst v63  }
0x201: {  	_ = 	snop  }
0x202: {  	[tilespmem:s13], [sflag:$0x1] =	stream.indirect.gather [hbm4b:s5+s18], $0x80, s20, s18, $0xb8;
	[tilespmem:$0x10200] =	vst v63  }
0x203: {  	_ = 	snop  }
0x204: {  	[tilespmem:s12], [sflag:$0x1] =	stream.indirect.gather [hbm4b:s9+s18], $0x80, s22, s18, $0xb8;
	[tilespmem:$0x10200] =	vst v63  }
0x205: {  	_ =	swait.ge [sflag:s16], $0x4000  }
0x206: {  	[sflag:s16] =	ssyncset.done $0x0  }
0x207: {  	[sflag:s16] =	ssyncadd.s32 $0xFFFFC000  }
0x208: {  	_ =	swait.ge [sflag:s16], $0x4000  }
0x209: {  	[sflag:s16] =	ssyncset.done $0x0  }
0x20a: {  	[sflag:s16] =	ssyncadd.s32 $0xFFFFC000  }
0x20b: {  	_ =	swait.ge [sflag:s16], $0x4000  }
0x20c: {  	[sflag:s16] =	ssyncset.done $0x0  }
0x20d: {  	[sflag:s16] =	ssyncadd.s32 $0xFFFFC000  }
0x20e: {  	_ =	swait.ge [sflag:s16], $0x4000  }
0x20f: {  	[sflag:s16] =	ssyncset.done $0x0  }
0x210: {  	s1 =	rddreg [dreg:$0xe];
	[sflag:s16] =	ssyncadd.s32 $0xFFFFC000  }
0x211: {  	[hbm4b:s1+s2] =	stream.linear.scatter [tilespmem:s15], [sflag:$0x2], $0x4000, $0x38;
	[tilespmem:$0x10200] =	vst v63  }
0x212: {  	_ =	swait.ge [sflag:s6], $0x4000  }
0x213: {  	[sflag:s6] =	ssyncset.done $0x0  }
0x214: {  	s1 =	rddreg [dreg:$0xf];
	[sflag:s6] =	ssyncadd.s32 $0xFFFFC000  }
0x215: {  	[hbm4b:s1+s2] =	stream.linear.scatter [tilespmem:s14], [sflag:$0x2], $0x4000, $0x38;
	[tilespmem:$0x10200] =	vst v63  }
0x216: {  	_ =	swait.ge [sflag:s6], $0x4000  }
0x217: {  	[sflag:s6] =	ssyncset.done $0x0  }
0x218: {  	s1 =	rddreg [dreg:$0x10];
	[sflag:s6] =	ssyncadd.s32 $0xFFFFC000  }
0x219: {  	[hbm4b:s1+s2] =	stream.linear.scatter [tilespmem:s13], [sflag:$0x2], $0x4000, $0x38;
	[tilespmem:$0x10200] =	vst v63  }
0x21a: {  	_ =	swait.ge [sflag:s6], $0x4000  }
0x21b: {  	[sflag:s6] =	ssyncset.done $0x0  }
0x21c: {  	s1 =	rddreg [dreg:$0x11];
	[sflag:s6] =	ssyncadd.s32 $0xFFFFC000  }
0x21d: {  	[hbm4b:s1+s2] =	stream.linear.scatter [tilespmem:s12], [sflag:$0x2], $0x4000, $0x38;
	[tilespmem:$0x10200] =	vst v63  }
0x21e: {  	_ =	swait.ge [sflag:s6], $0x4000  }
0x21f: {  	[sflag:s6] =	ssyncset.done $0x0  }
0x220: {  	s1 =	rddreg [dreg:$0x12];
	[sflag:s6] =	ssyncadd.s32 $0xFFFFC000  }
0x221: {  	[tilespmem:s2], [sflag:$0x2] =	stream.linear.gather [hbm4b:s1+s2], $0x80, $0x38;
	[tilespmem:$0x10200] =	vst v63  }
0x222: {  	_ =	swait.ge [sflag:s6], $0x80  }
0x223: {  	[sflag:s6] =	ssyncset.done $0x0  }
0x224: {  	[sflag:s6] =	ssyncadd.s32 $0xFFFFFF80  }
0x225: {  	[tilespmem:s18], [sflag:$0x2] =	stream.linear.gather [hbm4b:s31+s2], $0x80, $0x38;
	[tilespmem:$0x10200] =	vst v63  }
0x226: {  	_ =	swait.ge [sflag:s6], $0x80  }
0x227: {  	[sflag:s6] =	ssyncset.done $0x0  }
0x228: {  	[sflag:s6] =	ssyncadd.s32 $0xFFFFFF80  }
0x229: {  	[tilespmem:s20], [sflag:$0x2] =	stream.linear.gather [hbm4b:s30+s2], $0x80, $0x38;
	[tilespmem:$0x10200] =	vst v63  }
0x22a: {  	_ =	swait.ge [sflag:s6], $0x80  }
0x22b: {  	[sflag:s6] =	ssyncset.done $0x0  }
0x22c: {  	[sflag:s6] =	ssyncadd.s32 $0xFFFFFF80  }
0x22d: {  	[tilespmem:s22], [sflag:$0x2] =	stream.linear.gather [hbm4b:s29+s2], $0x80, $0x38;
	[tilespmem:$0x10200] =	vst v63  }
0x22e: {  	_ =	swait.ge [sflag:s6], $0x80  }
0x22f: {  	[sflag:s6] =	ssyncset.done $0x0  }
0x230: {  	[sflag:s6] =	ssyncadd.s32 $0xFFFFFF80  }
0x231: {  	[tilespmem:s15], [sflag:$0x1] =	stream.indirect.gather [hbm4b:s3+s18], $0x80, s2, s18, $0xb8;
	[tilespmem:$0x10200] =	vst v63  }
0x232: {  	_ = 	snop  }
0x233: {  	[tilespmem:s14], [sflag:$0x1] =	stream.indirect.gather [hbm4b:s4+s18], $0x80, s18, s18, $0xb8;
	[tilespmem:$0x10200] =	vst v63  }
0x234: {  	_ = 	snop  }
0x235: {  	[tilespmem:s13], [sflag:$0x1] =	stream.indirect.gather [hbm4b:s5+s18], $0x80, s20, s18, $0xb8;
	[tilespmem:$0x10200] =	vst v63  }
0x236: {  	_ = 	snop  }
0x237: {  	[tilespmem:s12], [sflag:$0x1] =	stream.indirect.gather [hbm4b:s9+s18], $0x80, s22, s18, $0xb8;
	[tilespmem:$0x10200] =	vst v63  }
0x238: {  	_ =	swait.ge [sflag:s16], $0x4000  }
0x239: {  	[sflag:s16] =	ssyncset.done $0x0  }
0x23a: {  	[sflag:s16] =	ssyncadd.s32 $0xFFFFC000  }
0x23b: {  	_ =	swait.ge [sflag:s16], $0x4000  }
0x23c: {  	[sflag:s16] =	ssyncset.done $0x0  }
0x23d: {  	[sflag:s16] =	ssyncadd.s32 $0xFFFFC000  }
0x23e: {  	_ =	swait.ge [sflag:s16], $0x4000  }
0x23f: {  	[sflag:s16] =	ssyncset.done $0x0  }
0x240: {  	[sflag:s16] =	ssyncadd.s32 $0xFFFFC000  }
0x241: {  	_ =	swait.ge [sflag:s16], $0x4000  }
0x242: {  	[sflag:s16] =	ssyncset.done $0x0  }
0x243: {  	[sflag:s16] =	ssyncadd.s32 $0xFFFFC000  }
0x244: {  	[hbm4b:s28+s2] =	stream.linear.scatter [tilespmem:s15], [sflag:$0x2], $0x4000, $0x38;
	[tilespmem:$0x10200] =	vst v63  }
0x245: {  	_ =	swait.ge [sflag:s6], $0x4000  }
0x246: {  	[sflag:s6] =	ssyncset.done $0x0  }
0x247: {  	[sflag:s6] =	ssyncadd.s32 $0xFFFFC000  }
0x248: {  	[hbm4b:s26+s2] =	stream.linear.scatter [tilespmem:s14], [sflag:$0x2], $0x4000, $0x38;
	[tilespmem:$0x10200] =	vst v63  }
0x249: {  	_ =	swait.ge [sflag:s6], $0x4000  }
0x24a: {  	[sflag:s6] =	ssyncset.done $0x0  }
0x24b: {  	[sflag:s6] =	ssyncadd.s32 $0xFFFFC000  }
0x24c: {  	[hbm4b:s25+s2] =	stream.linear.scatter [tilespmem:s13], [sflag:$0x2], $0x4000, $0x38;
	[tilespmem:$0x10200] =	vst v63  }
0x24d: {  	_ =	swait.ge [sflag:s6], $0x4000  }
0x24e: {  	[sflag:s6] =	ssyncset.done $0x0  }
0x24f: {  	[sflag:s6] =	ssyncadd.s32 $0xFFFFC000  }
0x250: {  	[hbm4b:s24+s2] =	stream.linear.scatter [tilespmem:s12], [sflag:$0x2], $0x4000, $0x38;
	[tilespmem:$0x10200] =	vst v63  }
0x251: {  	_ =	swait.ge [sflag:s6], $0x4000  }
0x252: {  	[sflag:s6] =	ssyncset.done $0x0  }
0x253: {  	[sflag:s6] =	ssyncadd.s32 $0xFFFFC000  }
0x254: {  	[tilespmem:s2], [sflag:$0x2] =	stream.linear.gather [hbm4b:s23+s2], $0x80, $0x38;
	[tilespmem:$0x10200] =	vst v63  }
0x255: {  	_ =	swait.ge [sflag:s6], $0x80  }
0x256: {  	[sflag:s6] =	ssyncset.done $0x0  }
0x257: {  	[sflag:s6] =	ssyncadd.s32 $0xFFFFFF80  }
0x258: {  	[tilespmem:s18], [sflag:$0x2] =	stream.linear.gather [hbm4b:s21+s2], $0x80, $0x38;
	[tilespmem:$0x10200] =	vst v63  }
0x259: {  	_ =	swait.ge [sflag:s6], $0x80  }
0x25a: {  	[sflag:s6] =	ssyncset.done $0x0  }
0x25b: {  	[sflag:s6] =	ssyncadd.s32 $0xFFFFFF80  }
0x25c: {  	[tilespmem:s20], [sflag:$0x2] =	stream.linear.gather [hbm4b:s19+s2], $0x80, $0x38;
	[tilespmem:$0x10200] =	vst v63  }
0x25d: {  	_ =	swait.ge [sflag:s6], $0x80  }
0x25e: {  	[sflag:s6] =	ssyncset.done $0x0  }
0x25f: {  	[sflag:s6] =	ssyncadd.s32 $0xFFFFFF80  }
0x260: {  	[tilespmem:s22], [sflag:$0x2] =	stream.linear.gather [hbm4b:s17+s2], $0x80, $0x38;
	[tilespmem:$0x10200] =	vst v63  }
0x261: {  	_ =	swait.ge [sflag:s6], $0x80  }
0x262: {  	[sflag:s6] =	ssyncset.done $0x0  }
0x263: {  	[sflag:s6] =	ssyncadd.s32 $0xFFFFFF80  }
0x264: {  	[tilespmem:s15], [sflag:$0x1] =	stream.indirect.gather [hbm4b:s3+s18], $0x80, s2, s18, $0xb8;
	[tilespmem:$0x10200] =	vst v63  }
0x265: {  	_ = 	snop  }
0x266: {  	[tilespmem:s14], [sflag:$0x1] =	stream.indirect.gather [hbm4b:s4+s18], $0x80, s18, s18, $0xb8;
	[tilespmem:$0x10200] =	vst v63  }
0x267: {  	_ = 	snop  }
0x268: {  	[tilespmem:s13], [sflag:$0x1] =	stream.indirect.gather [hbm4b:s5+s18], $0x80, s20, s18, $0xb8;
	[tilespmem:$0x10200] =	vst v63  }
0x269: {  	_ = 	snop  }
0x26a: {  	[tilespmem:s12], [sflag:$0x1] =	stream.indirect.gather [hbm4b:s9+s18], $0x80, s22, s18, $0xb8;
	[tilespmem:$0x10200] =	vst v63  }
0x26b: {  	_ =	swait.ge [sflag:s16], $0x4000  }
0x26c: {  	[sflag:s16] =	ssyncset.done $0x0  }
0x26d: {  	[sflag:s16] =	ssyncadd.s32 $0xFFFFC000  }
0x26e: {  	_ =	swait.ge [sflag:s16], $0x4000  }
0x26f: {  	[sflag:s16] =	ssyncset.done $0x0  }
0x270: {  	[sflag:s16] =	ssyncadd.s32 $0xFFFFC000  }
0x271: {  	_ =	swait.ge [sflag:s16], $0x4000  }
0x272: {  	[sflag:s16] =	ssyncset.done $0x0  }
0x273: {  	[sflag:s16] =	ssyncadd.s32 $0xFFFFC000  }
0x274: {  	_ =	swait.ge [sflag:s16], $0x4000  }
0x275: {  	[sflag:s16] =	ssyncset.done $0x0  }
0x276: {  	[sflag:s16] =	ssyncadd.s32 $0xFFFFC000  }
0x277: {  	[hbm4b:s11+s2] =	stream.linear.scatter [tilespmem:s15], [sflag:$0x2], $0x4000, $0x38;
	[tilespmem:$0x10200] =	vst v63  }
0x278: {  	_ =	swait.ge [sflag:s6], $0x4000  }
0x279: {  	[sflag:s6] =	ssyncset.done $0x0  }
0x27a: {  	[sflag:s6] =	ssyncadd.s32 $0xFFFFC000  }
0x27b: {  	[hbm4b:s10+s2] =	stream.linear.scatter [tilespmem:s14], [sflag:$0x2], $0x4000, $0x38;
	[tilespmem:$0x10200] =	vst v63  }
0x27c: {  	_ =	swait.ge [sflag:s6], $0x4000  }
0x27d: {  	[sflag:s6] =	ssyncset.done $0x0  }
0x27e: {  	[sflag:s6] =	ssyncadd.s32 $0xFFFFC000  }
0x27f: {  	[hbm4b:s8+s2] =	stream.linear.scatter [tilespmem:s13], [sflag:$0x2], $0x4000, $0x38;
	[tilespmem:$0x10200] =	vst v63  }
0x280: {  	_ =	swait.ge [sflag:s6], $0x4000  }
0x281: {  	[sflag:s6] =	ssyncset.done $0x0  }
0x282: {  	[sflag:s6] =	ssyncadd.s32 $0xFFFFC000  }
0x283: {  	[hbm4b:s7+s2] =	stream.linear.scatter [tilespmem:s12], [sflag:$0x2], $0x4000, $0x38;
	[tilespmem:$0x10200] =	vst v63  }
0x284: {  	_ =	swait.ge [sflag:s6], $0x4000  }
0x285: {  	[sflag:s6] =	ssyncset.done $0x0  }
0x286: {  	[sflag:s6] =	ssyncadd.s32 $0xFFFFC000  }
0x287: {  	_ =	sfence.sel $0x180000  }
0x288: {  	[bflag:$0x0] =	sbarrier.arrive $0xFFFF  }
0x289: {  	_ =	strace $0x90000047  }
0x28a: {  	s31 =	stileid.u32;
	[bflag:$0x2] =	sbarrier.arrive $0xFFFF  }
0x28b: {  	p0 =	sne.s32 s31, $0x0;
	s0 =	rddreg [dreg:$0x1]  }
0x28c: {  	s0 =	sadd.s32 @!p0 $0x100000, s0  }
0x28d: {  	[sflag:s0] =	ssyncadd.tile.s32 @!p0 $0x1;
	_ =	shalt  }
.Lfunc_end2:
_tile_overlayer_lowered:
.L_overlay_start_2:
0x28e: {  	(tag) =	ssettag $0x2  }
0x28f: {  	s0 =	rddreg [dreg:$0x0];
	s2 =	stileid.u32  }
0x290: {  	s1 =	rddreg [dreg:$0x1];
	p0 =	sne.s32 s2, $0x0  }
0x291: {  	s3 =	rddreg [dreg:$0x2];
	[bflag:$0x3] =	sbarrier.arrive $0xFFFF;
	s2 =	simm.s32 @!p0 $0x1C02  }
0x292: {  	[timem:s3], [sflag:s2] =	dma.local @!p0 [hbm:s0], s1  }
0x293: {  	s0 =	simm.s32 @!p0 $0x2  }
0x294: {  	_ =	swait.ge @!p0 [sflag:s0], s1  }
0x295: {  	s1 =	ssub.s32 @!p0 $0x0, s1;
	[sflag:s0] =	ssyncset.done @!p0 $0x0  }
0x296: {  	[sflag:s0] =	ssyncadd.s32 @!p0 s1  }
0x297: {  	[bflag:$0x3] =	sbarrier.arrive $0xFFFF  }
0x298: {  	_ =	shalt  }

</sc_bundles>
